<compile_context>
chip_gen: v7x
topology: tpu7x:2x2x1
jax: 0.10.2.dev20260603
libtpu: 0.0.44.dev20260713+nightly
codegen_flags: <defaults>
</compile_context>

<pallas_src>
import functools

import jax
import jax.numpy as jnp
from jax.experimental import pallas as pl
from jax.experimental.pallas import tpu as pltpu
from jax.experimental.pallas import tpu_sc as plsc

_DIM = 1024
_SCALE = _DIM ** (-0.5)
_LANES = 16

_mesh = plsc.VectorSubcoreMesh(
    core_axis_name="c", subcore_axis_name="s", num_cores=1, num_subcores=1
)


@functools.partial(
    pl.kernel,
    mesh=_mesh,
    out_type=jax.ShapeDtypeStruct((1, _DIM), jnp.float32),
    scratch_types=[
        pltpu.VMEM((1,), jnp.int32),
        pltpu.VMEM((1, _DIM), jnp.float32),
        pltpu.SemaphoreType.DMA,
    ],
)
def _lookup(idx_hbm, emb_hbm, out_hbm, idx_v, row_v, sem):
    pltpu.sync_copy(idx_hbm, idx_v)
    pltpu.async_copy(emb_hbm.at[idx_v], row_v, sem).wait()
    for i in range(_DIM // _LANES):
        sl = pl.ds(i * _LANES, _LANES)
        row_v[0, sl] = row_v[0, sl] * _SCALE
    pltpu.sync_copy(row_v, out_hbm)


def kernel(x, agent, emb):
    del x
    idx = jnp.asarray(agent, dtype=jnp.int32).reshape((1,))
    return _lookup(idx, emb)

# --- scband reference (transcript-rebuilt; emitter-appended) ---
"""Pipeline reference for scband-agent-embedding-76828374990858 (READ-ONLY COPY).

The authoritative reference and input builder live on the scoring server;
editing this copy changes nothing except your own understanding.
"""

import jax, jax.numpy as jnp
import numpy as np

N_AGENTS = 128
DIM = 1024
SCALE = DIM ** (-0.5)

def setup_inputs(seed: int = 0) -> dict:
    key = jax.random.key(seed)
    k1, k2 = jax.random.split(key)
    x = jax.random.normal(k1, (4, 2048, 1024), dtype=jnp.float32)
    emb = jax.random.normal(k2, (N_AGENTS, DIM), dtype=jnp.float32) * 0.02
    agent = 37  # integer agent id, key into the agents dict
    return {"x": x, "agent": agent, "emb": emb}

def reference(x, agent, emb):
    # pos = torch.ones(1, dtype=long) * self.agents[agent] -> index vector of shape [1]
    pos = jnp.full((1,), agent, dtype=jnp.int32)
    pos_emb = jnp.take(emb, pos, axis=0)  # embedding lookup -> [1, DIM]
    pos_emb = pos_emb * SCALE             # l2norm_embed=False branch
    return pos_emb

if __name__ == "__main__":
    import jax
    _d = setup_inputs()
    print(jax.jit(kernel)(*tuple(_d.values())))

</pallas_src>

<mosaic_0001>
#map = affine_map<(d0, d1) -> (0)>
#map1 = affine_map<(d0, d1) -> (0, 0)>
module attributes {stable_mosaic.version = 14 : i64} {
  func.func @_lookup(%arg0: i32, %arg1: i32, %arg2: memref<1xi32, #tpu.memory_space<hbm>>, %arg3: memref<128x1024xf32, #tpu.memory_space<hbm>>, %arg4: memref<1x1024xf32, #tpu.memory_space<hbm>>, %arg5: memref<1xi32, #tpu.memory_space<vmem>>, %arg6: memref<1x1024xf32, #tpu.memory_space<vmem>>, %arg7: memref<!tpu.dma_semaphore, #tpu.memory_space<semaphore_mem>>) attributes {dimension_semantics = [#tpu.dimension_semantics<core_parallel>, #tpu.dimension_semantics<subcore_parallel>], iteration_bounds = array<i64: 1, 1>, scalar_prefetch = 0 : i64, scratch_operands = 3 : i64, tpu.core_type = #tpu.core_type<sc_vector_subcore>, window_params = [{transform_indices = #map}, {transform_indices = #map1}, {transform_indices = #map1}]} {
    "tpu.region"() ({
      %run_scoped3A = tpu.sem_alloc : memref<!tpu.dma_semaphore, #tpu.memory_space<semaphore_mem>>
      tpu.enqueue_dma source(%arg2 : memref<1xi32, #tpu.memory_space<hbm>>) target(%arg5 : memref<1xi32, #tpu.memory_space<vmem>>) target_semaphore(%run_scoped3A : memref<!tpu.dma_semaphore, #tpu.memory_space<semaphore_mem>>)
      tpu.wait_dma2 semaphore(%run_scoped3A : memref<!tpu.dma_semaphore, #tpu.memory_space<semaphore_mem>>) src(%arg2 : memref<1xi32, #tpu.memory_space<hbm>>) dst(%arg5 : memref<1xi32, #tpu.memory_space<vmem>>)
      tpu.yield
    }) : () -> ()
    %dma_start3A = arith.constant 0 : i32
    %dma_start3A_0 = arith.constant 0 : i32
    %dma_start3A_1 = tpu.memref_slice %arg3[%dma_start3A, %dma_start3A_0] : memref<128x1024xf32, #tpu.memory_space<hbm>> -> memref<128x1024xf32, #tpu.memory_space<hbm>>
    tpu.enqueue_indirect_dma source(%dma_start3A_1 : memref<128x1024xf32, #tpu.memory_space<hbm>>) target(%arg6 : memref<1x1024xf32, #tpu.memory_space<vmem>>) offsets(%arg5 : memref<1xi32, #tpu.memory_space<vmem>>) semaphore(%arg7 : memref<!tpu.dma_semaphore, #tpu.memory_space<semaphore_mem>>)
    %dma_wait3A = arith.constant 0 : i32
    %dma_wait3A_2 = arith.constant 0 : i32
    %dma_wait3A_3 = tpu.memref_slice %arg3[%dma_wait3A, %dma_wait3A_2] : memref<128x1024xf32, #tpu.memory_space<hbm>> -> memref<128x1024xf32, #tpu.memory_space<hbm>>
    tpu.wait_indirect_dma semaphore(%arg7 : memref<!tpu.dma_semaphore, #tpu.memory_space<semaphore_mem>>) src(%dma_wait3A_3 : memref<128x1024xf32, #tpu.memory_space<hbm>>) dst(%arg6 : memref<1x1024xf32, #tpu.memory_space<vmem>>)
    %get3A = arith.constant 0 : i32
    %get3A_4 = arith.index_cast %get3A : i32 to index
    %get3A_5 = arith.constant 0 : index
    %get3A_6 = tpu.vector_load %arg6[%get3A_4, %get3A_5] {strides = array<i32>} : memref<1x1024xf32, #tpu.memory_space<vmem>>, vector<1x16xf32>,
    %get3A_7 = vector.shape_cast %get3A_6 : vector<1x16xf32> to vector<16xf32>
    %mul3A = arith.constant 3.125000e-02 : f32
    %mul3A_8 = vector.broadcast %mul3A : f32 to vector<16xf32>
    %mul3A_9 = arith.mulf %get3A_7, %mul3A_8 : vector<16xf32>
    %swap3A = arith.constant 0 : i32
    %swap3A_10 = arith.index_cast %swap3A : i32 to index
    %swap3A_11 = arith.constant 0 : index
    %swap3A_12 = tpu.vector_load %arg6[%swap3A_10, %swap3A_11] {strides = array<i32>} : memref<1x1024xf32, #tpu.memory_space<vmem>>, vector<1x16xf32>,
    %swap3A_13 = vector.shape_cast %swap3A_12 : vector<1x16xf32> to vector<16xf32>
    %swap3A_14 = vector.shape_cast %mul3A_9 : vector<16xf32> to vector<1x16xf32>
    tpu.vector_store %arg6[%swap3A_10, %swap3A_11], %swap3A_14 {strides = array<i32>} : memref<1x1024xf32, #tpu.memory_space<vmem>>, vector<1x16xf32>,
    %get3A_15 = arith.constant 0 : i32
    %get3A_16 = arith.index_cast %get3A_15 : i32 to index
    %get3A_17 = arith.constant 16 : index
    %get3A_18 = tpu.vector_load %arg6[%get3A_16, %get3A_17] {strides = array<i32>} : memref<1x1024xf32, #tpu.memory_space<vmem>>, vector<1x16xf32>,
    %get3A_19 = vector.shape_cast %get3A_18 : vector<1x16xf32> to vector<16xf32>
    %mul3A_20 = arith.constant 3.125000e-02 : f32
    %mul3A_21 = vector.broadcast %mul3A_20 : f32 to vector<16xf32>
    %mul3A_22 = arith.mulf %get3A_19, %mul3A_21 : vector<16xf32>
    %swap3A_23 = arith.constant 0 : i32
    %swap3A_24 = arith.index_cast %swap3A_23 : i32 to index
    %swap3A_25 = arith.constant 16 : index
    %swap3A_26 = tpu.vector_load %arg6[%swap3A_24, %swap3A_25] {strides = array<i32>} : memref<1x1024xf32, #tpu.memory_space<vmem>>, vector<1x16xf32>,
    %swap3A_27 = vector.shape_cast %swap3A_26 : vector<1x16xf32> to vector<16xf32>
    %swap3A_28 = vector.shape_cast %mul3A_22 : vector<16xf32> to vector<1x16xf32>
    tpu.vector_store %arg6[%swap3A_24, %swap3A_25], %swap3A_28 {strides = array<i32>} : memref<1x1024xf32, #tpu.memory_space<vmem>>, vector<1x16xf32>,
    %get3A_29 = arith.constant 0 : i32
    %get3A_30 = arith.index_cast %get3A_29 : i32 to index
    %get3A_31 = arith.constant 32 : index
    %get3A_32 = tpu.vector_load %arg6[%get3A_30, %get3A_31] {strides = array<i32>} : memref<1x1024xf32, #tpu.memory_space<vmem>>, vector<1x16xf32>,
    %get3A_33 = vector.shape_cast %get3A_32 : vector<1x16xf32> to vector<16xf32>
    %mul3A_34 = arith.constant 3.125000e-02 : f32
    %mul3A_35 = vector.broadcast %mul3A_34 : f32 to vector<16xf32>
    %mul3A_36 = arith.mulf %get3A_33, %mul3A_35 : vector<16xf32>
    %swap3A_37 = arith.constant 0 : i32
    %swap3A_38 = arith.index_cast %swap3A_37 : i32 to index
    %swap3A_39 = arith.constant 32 : index
    %swap3A_40 = tpu.vector_load %arg6[%swap3A_38, %swap3A_39] {strides = array<i32>} : memref<1x1024xf32, #tpu.memory_space<vmem>>, vector<1x16xf32>,
    %swap3A_41 = vector.shape_cast %swap3A_40 : vector<1x16xf32> to vector<16xf32>
    %swap3A_42 = vector.shape_cast %mul3A_36 : vector<16xf32> to vector<1x16xf32>
    tpu.vector_store %arg6[%swap3A_38, %swap3A_39], %swap3A_42 {strides = array<i32>} : memref<1x1024xf32, #tpu.memory_space<vmem>>, vector<1x16xf32>,
    %get3A_43 = arith.constant 0 : i32
    %get3A_44 = arith.index_cast %get3A_43 : i32 to index
    %get3A_45 = arith.constant 48 : index
    %get3A_46 = tpu.vector_load %arg6[%get3A_44, %get3A_45] {strides = array<i32>} : memref<1x1024xf32, #tpu.memory_space<vmem>>, vector<1x16xf32>,
    %get3A_47 = vector.shape_cast %get3A_46 : vector<1x16xf32> to vector<16xf32>
    %mul3A_48 = arith.constant 3.125000e-02 : f32
    %mul3A_49 = vector.broadcast %mul3A_48 : f32 to vector<16xf32>
    %mul3A_50 = arith.mulf %get3A_47, %mul3A_49 : vector<16xf32>
    %swap3A_51 = arith.constant 0 : i32
    %swap3A_52 = arith.index_cast %swap3A_51 : i32 to index
    %swap3A_53 = arith.constant 48 : index
    %swap3A_54 = tpu.vector_load %arg6[%swap3A_52, %swap3A_53] {strides = array<i32>} : memref<1x1024xf32, #tpu.memory_space<vmem>>, vector<1x16xf32>,
    %swap3A_55 = vector.shape_cast %swap3A_54 : vector<1x16xf32> to vector<16xf32>
    %swap3A_56 = vector.shape_cast %mul3A_50 : vector<16xf32> to vector<1x16xf32>
    tpu.vector_store %arg6[%swap3A_52, %swap3A_53], %swap3A_56 {strides = array<i32>} : memref<1x1024xf32, #tpu.memory_space<vmem>>, vector<1x16xf32>,
    %get3A_57 = arith.constant 0 : i32
    %get3A_58 = arith.index_cast %get3A_57 : i32 to index
    %get3A_59 = arith.constant 64 : index
    %get3A_60 = tpu.vector_load %arg6[%get3A_58, %get3A_59] {strides = array<i32>} : memref<1x1024xf32, #tpu.memory_space<vmem>>, vector<1x16xf32>,
    %get3A_61 = vector.shape_cast %get3A_60 : vector<1x16xf32> to vector<16xf32>
    %mul3A_62 = arith.constant 3.125000e-02 : f32
    %mul3A_63 = vector.broadcast %mul3A_62 : f32 to vector<16xf32>
    %mul3A_64 = arith.mulf %get3A_61, %mul3A_63 : vector<16xf32>
    %swap3A_65 = arith.constant 0 : i32
    %swap3A_66 = arith.index_cast %swap3A_65 : i32 to index
    %swap3A_67 = arith.constant 64 : index
    %swap3A_68 = tpu.vector_load %arg6[%swap3A_66, %swap3A_67] {strides = array<i32>} : memref<1x1024xf32, #tpu.memory_space<vmem>>, vector<1x16xf32>,
    %swap3A_69 = vector.shape_cast %swap3A_68 : vector<1x16xf32> to vector<16xf32>
    %swap3A_70 = vector.shape_cast %mul3A_64 : vector<16xf32> to vector<1x16xf32>
    tpu.vector_store %arg6[%swap3A_66, %swap3A_67], %swap3A_70 {strides = array<i32>} : memref<1x1024xf32, #tpu.memory_space<vmem>>, vector<1x16xf32>,
    %get3A_71 = arith.constant 0 : i32
    %get3A_72 = arith.index_cast %get3A_71 : i32 to index
    %get3A_73 = arith.constant 80 : index
    %get3A_74 = tpu.vector_load %arg6[%get3A_72, %get3A_73] {strides = array<i32>} : memref<1x1024xf32, #tpu.memory_space<vmem>>, vector<1x16xf32>,
    %get3A_75 = vector.shape_cast %get3A_74 : vector<1x16xf32> to vector<16xf32>
    %mul3A_76 = arith.constant 3.125000e-02 : f32
    %mul3A_77 = vector.broadcast %mul3A_76 : f32 to vector<16xf32>
    %mul3A_78 = arith.mulf %get3A_75, %mul3A_77 : vector<16xf32>
    %swap3A_79 = arith.constant 0 : i32
    %swap3A_80 = arith.index_cast %swap3A_79 : i32 to index
    %swap3A_81 = arith.constant 80 : index
    %swap3A_82 = tpu.vector_load %arg6[%swap3A_80, %swap3A_81] {strides = array<i32>} : memref<1x1024xf32, #tpu.memory_space<vmem>>, vector<1x16xf32>,
    %swap3A_83 = vector.shape_cast %swap3A_82 : vector<1x16xf32> to vector<16xf32>
    %swap3A_84 = vector.shape_cast %mul3A_78 : vector<16xf32> to vector<1x16xf32>
    tpu.vector_store %arg6[%swap3A_80, %swap3A_81], %swap3A_84 {strides = array<i32>} : memref<1x1024xf32, #tpu.memory_space<vmem>>, vector<1x16xf32>,
    %get3A_85 = arith.constant 0 : i32
    %get3A_86 = arith.index_cast %get3A_85 : i32 to index
    %get3A_87 = arith.constant 96 : index
    %get3A_88 = tpu.vector_load %arg6[%get3A_86, %get3A_87] {strides = array<i32>} : memref<1x1024xf32, #tpu.memory_space<vmem>>, vector<1x16xf32>,
    %get3A_89 = vector.shape_cast %get3A_88 : vector<1x16xf32> to vector<16xf32>
    %mul3A_90 = arith.constant 3.125000e-02 : f32
    %mul3A_91 = vector.broadcast %mul3A_90 : f32 to vector<16xf32>
    %mul3A_92 = arith.mulf %get3A_89, %mul3A_91 : vector<16xf32>
    %swap3A_93 = arith.constant 0 : i32
    %swap3A_94 = arith.index_cast %swap3A_93 : i32 to index
    %swap3A_95 = arith.constant 96 : index
    %swap3A_96 = tpu.vector_load %arg6[%swap3A_94, %swap3A_95] {strides = array<i32>} : memref<1x1024xf32, #tpu.memory_space<vmem>>, vector<1x16xf32>,
    %swap3A_97 = vector.shape_cast %swap3A_96 : vector<1x16xf32> to vector<16xf32>
    %swap3A_98 = vector.shape_cast %mul3A_92 : vector<16xf32> to vector<1x16xf32>
    tpu.vector_store %arg6[%swap3A_94, %swap3A_95], %swap3A_98 {strides = array<i32>} : memref<1x1024xf32, #tpu.memory_space<vmem>>, vector<1x16xf32>,
    %get3A_99 = arith.constant 0 : i32
    %get3A_100 = arith.index_cast %get3A_99 : i32 to index
    %get3A_101 = arith.constant 112 : index
    %get3A_102 = tpu.vector_load %arg6[%get3A_100, %get3A_101] {strides = array<i32>} : memref<1x1024xf32, #tpu.memory_space<vmem>>, vector<1x16xf32>,
    %get3A_103 = vector.shape_cast %get3A_102 : vector<1x16xf32> to vector<16xf32>
    %mul3A_104 = arith.constant 3.125000e-02 : f32
    %mul3A_105 = vector.broadcast %mul3A_104 : f32 to vector<16xf32>
    %mul3A_106 = arith.mulf %get3A_103, %mul3A_105 : vector<16xf32>
    %swap3A_107 = arith.constant 0 : i32
    %swap3A_108 = arith.index_cast %swap3A_107 : i32 to index
    %swap3A_109 = arith.constant 112 : index
    %swap3A_110 = tpu.vector_load %arg6[%swap3A_108, %swap3A_109] {strides = array<i32>} : memref<1x1024xf32, #tpu.memory_space<vmem>>, vector<1x16xf32>,
    %swap3A_111 = vector.shape_cast %swap3A_110 : vector<1x16xf32> to vector<16xf32>
    %swap3A_112 = vector.shape_cast %mul3A_106 : vector<16xf32> to vector<1x16xf32>
    tpu.vector_store %arg6[%swap3A_108, %swap3A_109], %swap3A_112 {strides = array<i32>} : memref<1x1024xf32, #tpu.memory_space<vmem>>, vector<1x16xf32>,
    %get3A_113 = arith.constant 0 : i32
    %get3A_114 = arith.index_cast %get3A_113 : i32 to index
    %get3A_115 = arith.constant 128 : index
    %get3A_116 = tpu.vector_load %arg6[%get3A_114, %get3A_115] {strides = array<i32>} : memref<1x1024xf32, #tpu.memory_space<vmem>>, vector<1x16xf32>,
    %get3A_117 = vector.shape_cast %get3A_116 : vector<1x16xf32> to vector<16xf32>
    %mul3A_118 = arith.constant 3.125000e-02 : f32
    %mul3A_119 = vector.broadcast %mul3A_118 : f32 to vector<16xf32>
    %mul3A_120 = arith.mulf %get3A_117, %mul3A_119 : vector<16xf32>
    %swap3A_121 = arith.constant 0 : i32
    %swap3A_122 = arith.index_cast %swap3A_121 : i32 to index
    %swap3A_123 = arith.constant 128 : index
    %swap3A_124 = tpu.vector_load %arg6[%swap3A_122, %swap3A_123] {strides = array<i32>} : memref<1x1024xf32, #tpu.memory_space<vmem>>, vector<1x16xf32>,
    %swap3A_125 = vector.shape_cast %swap3A_124 : vector<1x16xf32> to vector<16xf32>
    %swap3A_126 = vector.shape_cast %mul3A_120 : vector<16xf32> to vector<1x16xf32>
    tpu.vector_store %arg6[%swap3A_122, %swap3A_123], %swap3A_126 {strides = array<i32>} : memref<1x1024xf32, #tpu.memory_space<vmem>>, vector<1x16xf32>,
    %get3A_127 = arith.constant 0 : i32
    %get3A_128 = arith.index_cast %get3A_127 : i32 to index
    %get3A_129 = arith.constant 144 : index
    %get3A_130 = tpu.vector_load %arg6[%get3A_128, %get3A_129] {strides = array<i32>} : memref<1x1024xf32, #tpu.memory_space<vmem>>, vector<1x16xf32>,
    %get3A_131 = vector.shape_cast %get3A_130 : vector<1x16xf32> to vector<16xf32>
    %mul3A_132 = arith.constant 3.125000e-02 : f32
    %mul3A_133 = vector.broadcast %mul3A_132 : f32 to vector<16xf32>
    %mul3A_134 = arith.mulf %get3A_131, %mul3A_133 : vector<16xf32>
    %swap3A_135 = arith.constant 0 : i32
    %swap3A_136 = arith.index_cast %swap3A_135 : i32 to index
    %swap3A_137 = arith.constant 144 : index
    %swap3A_138 = tpu.vector_load %arg6[%swap3A_136, %swap3A_137] {strides = array<i32>} : memref<1x1024xf32, #tpu.memory_space<vmem>>, vector<1x16xf32>,
    %swap3A_139 = vector.shape_cast %swap3A_138 : vector<1x16xf32> to vector<16xf32>
    %swap3A_140 = vector.shape_cast %mul3A_134 : vector<16xf32> to vector<1x16xf32>
    tpu.vector_store %arg6[%swap3A_136, %swap3A_137], %swap3A_140 {strides = array<i32>} : memref<1x1024xf32, #tpu.memory_space<vmem>>, vector<1x16xf32>,
    %get3A_141 = arith.constant 0 : i32
    %get3A_142 = arith.index_cast %get3A_141 : i32 to index
    %get3A_143 = arith.constant 160 : index
    %get3A_144 = tpu.vector_load %arg6[%get3A_142, %get3A_143] {strides = array<i32>} : memref<1x1024xf32, #tpu.memory_space<vmem>>, vector<1x16xf32>,
    %get3A_145 = vector.shape_cast %get3A_144 : vector<1x16xf32> to vector<16xf32>
    %mul3A_146 = arith.constant 3.125000e-02 : f32
    %mul3A_147 = vector.broadcast %mul3A_146 : f32 to vector<16xf32>
    %mul3A_148 = arith.mulf %get3A_145, %mul3A_147 : vector<16xf32>
    %swap3A_149 = arith.constant 0 : i32
    %swap3A_150 = arith.index_cast %swap3A_149 : i32 to index
    %swap3A_151 = arith.constant 160 : index
    %swap3A_152 = tpu.vector_load %arg6[%swap3A_150, %swap3A_151] {strides = array<i32>} : memref<1x1024xf32, #tpu.memory_space<vmem>>, vector<1x16xf32>,
    %swap3A_153 = vector.shape_cast %swap3A_152 : vector<1x16xf32> to vector<16xf32>
    %swap3A_154 = vector.shape_cast %mul3A_148 : vector<16xf32> to vector<1x16xf32>
    tpu.vector_store %arg6[%swap3A_150, %swap3A_151], %swap3A_154 {strides = array<i32>} : memref<1x1024xf32, #tpu.memory_space<vmem>>, vector<1x16xf32>,
    %get3A_155 = arith.constant 0 : i32
    %get3A_156 = arith.index_cast %get3A_155 : i32 to index
    %get3A_157 = arith.constant 176 : index
    %get3A_158 = tpu.vector_load %arg6[%get3A_156, %get3A_157] {strides = array<i32>} : memref<1x1024xf32, #tpu.memory_space<vmem>>, vector<1x16xf32>,
    %get3A_159 = vector.shape_cast %get3A_158 : vector<1x16xf32> to vector<16xf32>
    %mul3A_160 = arith.constant 3.125000e-02 : f32
    %mul3A_161 = vector.broadcast %mul3A_160 : f32 to vector<16xf32>
    %mul3A_162 = arith.mulf %get3A_159, %mul3A_161 : vector<16xf32>
    %swap3A_163 = arith.constant 0 : i32
    %swap3A_164 = arith.index_cast %swap3A_163 : i32 to index
    %swap3A_165 = arith.constant 176 : index
    %swap3A_166 = tpu.vector_load %arg6[%swap3A_164, %swap3A_165] {strides = array<i32>} : memref<1x1024xf32, #tpu.memory_space<vmem>>, vector<1x16xf32>,
    %swap3A_167 = vector.shape_cast %swap3A_166 : vector<1x16xf32> to vector<16xf32>
    %swap3A_168 = vector.shape_cast %mul3A_162 : vector<16xf32> to vector<1x16xf32>
    tpu.vector_store %arg6[%swap3A_164, %swap3A_165], %swap3A_168 {strides = array<i32>} : memref<1x1024xf32, #tpu.memory_space<vmem>>, vector<1x16xf32>,
    %get3A_169 = arith.constant 0 : i32
    %get3A_170 = arith.index_cast %get3A_169 : i32 to index
    %get3A_171 = arith.constant 192 : index
    %get3A_172 = tpu.vector_load %arg6[%get3A_170, %get3A_171] {strides = array<i32>} : memref<1x1024xf32, #tpu.memory_space<vmem>>, vector<1x16xf32>,
    %get3A_173 = vector.shape_cast %get3A_172 : vector<1x16xf32> to vector<16xf32>
    %mul3A_174 = arith.constant 3.125000e-02 : f32
    %mul3A_175 = vector.broadcast %mul3A_174 : f32 to vector<16xf32>
    %mul3A_176 = arith.mulf %get3A_173, %mul3A_175 : vector<16xf32>
    %swap3A_177 = arith.constant 0 : i32
    %swap3A_178 = arith.index_cast %swap3A_177 : i32 to index
    %swap3A_179 = arith.constant 192 : index
    %swap3A_180 = tpu.vector_load %arg6[%swap3A_178, %swap3A_179] {strides = array<i32>} : memref<1x1024xf32, #tpu.memory_space<vmem>>, vector<1x16xf32>,
    %swap3A_181 = vector.shape_cast %swap3A_180 : vector<1x16xf32> to vector<16xf32>
    %swap3A_182 = vector.shape_cast %mul3A_176 : vector<16xf32> to vector<1x16xf32>
    tpu.vector_store %arg6[%swap3A_178, %swap3A_179], %swap3A_182 {strides = array<i32>} : memref<1x1024xf32, #tpu.memory_space<vmem>>, vector<1x16xf32>,
    %get3A_183 = arith.constant 0 : i32
    %get3A_184 = arith.index_cast %get3A_183 : i32 to index
    %get3A_185 = arith.constant 208 : index
    %get3A_186 = tpu.vector_load %arg6[%get3A_184, %get3A_185] {strides = array<i32>} : memref<1x1024xf32, #tpu.memory_space<vmem>>, vector<1x16xf32>,
    %get3A_187 = vector.shape_cast %get3A_186 : vector<1x16xf32> to vector<16xf32>
    %mul3A_188 = arith.constant 3.125000e-02 : f32
    %mul3A_189 = vector.broadcast %mul3A_188 : f32 to vector<16xf32>
    %mul3A_190 = arith.mulf %get3A_187, %mul3A_189 : vector<16xf32>
    %swap3A_191 = arith.constant 0 : i32
    %swap3A_192 = arith.index_cast %swap3A_191 : i32 to index
    %swap3A_193 = arith.constant 208 : index
    %swap3A_194 = tpu.vector_load %arg6[%swap3A_192, %swap3A_193] {strides = array<i32>} : memref<1x1024xf32, #tpu.memory_space<vmem>>, vector<1x16xf32>,
    %swap3A_195 = vector.shape_cast %swap3A_194 : vector<1x16xf32> to vector<16xf32>
    %swap3A_196 = vector.shape_cast %mul3A_190 : vector<16xf32> to vector<1x16xf32>
    tpu.vector_store %arg6[%swap3A_192, %swap3A_193], %swap3A_196 {strides = array<i32>} : memref<1x1024xf32, #tpu.memory_space<vmem>>, vector<1x16xf32>,
    %get3A_197 = arith.constant 0 : i32
    %get3A_198 = arith.index_cast %get3A_197 : i32 to index
    %get3A_199 = arith.constant 224 : index
    %get3A_200 = tpu.vector_load %arg6[%get3A_198, %get3A_199] {strides = array<i32>} : memref<1x1024xf32, #tpu.memory_space<vmem>>, vector<1x16xf32>,
    %get3A_201 = vector.shape_cast %get3A_200 : vector<1x16xf32> to vector<16xf32>
    %mul3A_202 = arith.constant 3.125000e-02 : f32
    %mul3A_203 = vector.broadcast %mul3A_202 : f32 to vector<16xf32>
    %mul3A_204 = arith.mulf %get3A_201, %mul3A_203 : vector<16xf32>
    %swap3A_205 = arith.constant 0 : i32
    %swap3A_206 = arith.index_cast %swap3A_205 : i32 to index
    %swap3A_207 = arith.constant 224 : index
    %swap3A_208 = tpu.vector_load %arg6[%swap3A_206, %swap3A_207] {strides = array<i32>} : memref<1x1024xf32, #tpu.memory_space<vmem>>, vector<1x16xf32>,
    %swap3A_209 = vector.shape_cast %swap3A_208 : vector<1x16xf32> to vector<16xf32>
    %swap3A_210 = vector.shape_cast %mul3A_204 : vector<16xf32> to vector<1x16xf32>
    tpu.vector_store %arg6[%swap3A_206, %swap3A_207], %swap3A_210 {strides = array<i32>} : memref<1x1024xf32, #tpu.memory_space<vmem>>, vector<1x16xf32>,
    %get3A_211 = arith.constant 0 : i32
    %get3A_212 = arith.index_cast %get3A_211 : i32 to index
    %get3A_213 = arith.constant 240 : index
    %get3A_214 = tpu.vector_load %arg6[%get3A_212, %get3A_213] {strides = array<i32>} : memref<1x1024xf32, #tpu.memory_space<vmem>>, vector<1x16xf32>,
    %get3A_215 = vector.shape_cast %get3A_214 : vector<1x16xf32> to vector<16xf32>
    %mul3A_216 = arith.constant 3.125000e-02 : f32
    %mul3A_217 = vector.broadcast %mul3A_216 : f32 to vector<16xf32>
    %mul3A_218 = arith.mulf %get3A_215, %mul3A_217 : vector<16xf32>
    %swap3A_219 = arith.constant 0 : i32
    %swap3A_220 = arith.index_cast %swap3A_219 : i32 to index
    %swap3A_221 = arith.constant 240 : index
    %swap3A_222 = tpu.vector_load %arg6[%swap3A_220, %swap3A_221] {strides = array<i32>} : memref<1x1024xf32, #tpu.memory_space<vmem>>, vector<1x16xf32>,
    %swap3A_223 = vector.shape_cast %swap3A_222 : vector<1x16xf32> to vector<16xf32>
    %swap3A_224 = vector.shape_cast %mul3A_218 : vector<16xf32> to vector<1x16xf32>
    tpu.vector_store %arg6[%swap3A_220, %swap3A_221], %swap3A_224 {strides = array<i32>} : memref<1x1024xf32, #tpu.memory_space<vmem>>, vector<1x16xf32>,
    %get3A_225 = arith.constant 0 : i32
    %get3A_226 = arith.index_cast %get3A_225 : i32 to index
    %get3A_227 = arith.constant 256 : index
    %get3A_228 = tpu.vector_load %arg6[%get3A_226, %get3A_227] {strides = array<i32>} : memref<1x1024xf32, #tpu.memory_space<vmem>>, vector<1x16xf32>,
    %get3A_229 = vector.shape_cast %get3A_228 : vector<1x16xf32> to vector<16xf32>
    %mul3A_230 = arith.constant 3.125000e-02 : f32
    %mul3A_231 = vector.broadcast %mul3A_230 : f32 to vector<16xf32>
    %mul3A_232 = arith.mulf %get3A_229, %mul3A_231 : vector<16xf32>
    %swap3A_233 = arith.constant 0 : i32
    %swap3A_234 = arith.index_cast %swap3A_233 : i32 to index
    %swap3A_235 = arith.constant 256 : index
    %swap3A_236 = tpu.vector_load %arg6[%swap3A_234, %swap3A_235] {strides = array<i32>} : memref<1x1024xf32, #tpu.memory_space<vmem>>, vector<1x16xf32>,
    %swap3A_237 = vector.shape_cast %swap3A_236 : vector<1x16xf32> to vector<16xf32>
    %swap3A_238 = vector.shape_cast %mul3A_232 : vector<16xf32> to vector<1x16xf32>
    tpu.vector_store %arg6[%swap3A_234, %swap3A_235], %swap3A_238 {strides = array<i32>} : memref<1x1024xf32, #tpu.memory_space<vmem>>, vector<1x16xf32>,
    %get3A_239 = arith.constant 0 : i32
    %get3A_240 = arith.index_cast %get3A_239 : i32 to index
    %get3A_241 = arith.constant 272 : index
    %get3A_242 = tpu.vector_load %arg6[%get3A_240, %get3A_241] {strides = array<i32>} : memref<1x1024xf32, #tpu.memory_space<vmem>>, vector<1x16xf32>,
    %get3A_243 = vector.shape_cast %get3A_242 : vector<1x16xf32> to vector<16xf32>
    %mul3A_244 = arith.constant 3.125000e-02 : f32
    %mul3A_245 = vector.broadcast %mul3A_244 : f32 to vector<16xf32>
    %mul3A_246 = arith.mulf %get3A_243, %mul3A_245 : vector<16xf32>
    %swap3A_247 = arith.constant 0 : i32
    %swap3A_248 = arith.index_cast %swap3A_247 : i32 to index
    %swap3A_249 = arith.constant 272 : index
    %swap3A_250 = tpu.vector_load %arg6[%swap3A_248, %swap3A_249] {strides = array<i32>} : memref<1x1024xf32, #tpu.memory_space<vmem>>, vector<1x16xf32>,
    %swap3A_251 = vector.shape_cast %swap3A_250 : vector<1x16xf32> to vector<16xf32>
    %swap3A_252 = vector.shape_cast %mul3A_246 : vector<16xf32> to vector<1x16xf32>
    tpu.vector_store %arg6[%swap3A_248, %swap3A_249], %swap3A_252 {strides = array<i32>} : memref<1x1024xf32, #tpu.memory_space<vmem>>, vector<1x16xf32>,
    %get3A_253 = arith.constant 0 : i32
    %get3A_254 = arith.index_cast %get3A_253 : i32 to index
    %get3A_255 = arith.constant 288 : index
    %get3A_256 = tpu.vector_load %arg6[%get3A_254, %get3A_255] {strides = array<i32>} : memref<1x1024xf32, #tpu.memory_space<vmem>>, vector<1x16xf32>,
    %get3A_257 = vector.shape_cast %get3A_256 : vector<1x16xf32> to vector<16xf32>
    %mul3A_258 = arith.constant 3.125000e-02 : f32
    %mul3A_259 = vector.broadcast %mul3A_258 : f32 to vector<16xf32>
    %mul3A_260 = arith.mulf %get3A_257, %mul3A_259 : vector<16xf32>
    %swap3A_261 = arith.constant 0 : i32
    %swap3A_262 = arith.index_cast %swap3A_261 : i32 to index
    %swap3A_263 = arith.constant 288 : index
    %swap3A_264 = tpu.vector_load %arg6[%swap3A_262, %swap3A_263] {strides = array<i32>} : memref<1x1024xf32, #tpu.memory_space<vmem>>, vector<1x16xf32>,
    %swap3A_265 = vector.shape_cast %swap3A_264 : vector<1x16xf32> to vector<16xf32>
    %swap3A_266 = vector.shape_cast %mul3A_260 : vector<16xf32> to vector<1x16xf32>
    tpu.vector_store %arg6[%swap3A_262, %swap3A_263], %swap3A_266 {strides = array<i32>} : memref<1x1024xf32, #tpu.memory_space<vmem>>, vector<1x16xf32>,
    %get3A_267 = arith.constant 0 : i32
    %get3A_268 = arith.index_cast %get3A_267 : i32 to index
    %get3A_269 = arith.constant 304 : index
    %get3A_270 = tpu.vector_load %arg6[%get3A_268, %get3A_269] {strides = array<i32>} : memref<1x1024xf32, #tpu.memory_space<vmem>>, vector<1x16xf32>,
    %get3A_271 = vector.shape_cast %get3A_270 : vector<1x16xf32> to vector<16xf32>
    %mul3A_272 = arith.constant 3.125000e-02 : f32
    %mul3A_273 = vector.broadcast %mul3A_272 : f32 to vector<16xf32>
    %mul3A_274 = arith.mulf %get3A_271, %mul3A_273 : vector<16xf32>
    %swap3A_275 = arith.constant 0 : i32
    %swap3A_276 = arith.index_cast %swap3A_275 : i32 to index
    %swap3A_277 = arith.constant 304 : index
    %swap3A_278 = tpu.vector_load %arg6[%swap3A_276, %swap3A_277] {strides = array<i32>} : memref<1x1024xf32, #tpu.memory_space<vmem>>, vector<1x16xf32>,
    %swap3A_279 = vector.shape_cast %swap3A_278 : vector<1x16xf32> to vector<16xf32>
    %swap3A_280 = vector.shape_cast %mul3A_274 : vector<16xf32> to vector<1x16xf32>
    tpu.vector_store %arg6[%swap3A_276, %swap3A_277], %swap3A_280 {strides = array<i32>} : memref<1x1024xf32, #tpu.memory_space<vmem>>, vector<1x16xf32>,
    %get3A_281 = arith.constant 0 : i32
    %get3A_282 = arith.index_cast %get3A_281 : i32 to index
    %get3A_283 = arith.constant 320 : index
    %get3A_284 = tpu.vector_load %arg6[%get3A_282, %get3A_283] {strides = array<i32>} : memref<1x1024xf32, #tpu.memory_space<vmem>>, vector<1x16xf32>,
    %get3A_285 = vector.shape_cast %get3A_284 : vector<1x16xf32> to vector<16xf32>
    %mul3A_286 = arith.constant 3.125000e-02 : f32
    %mul3A_287 = vector.broadcast %mul3A_286 : f32 to vector<16xf32>
    %mul3A_288 = arith.mulf %get3A_285, %mul3A_287 : vector<16xf32>
    %swap3A_289 = arith.constant 0 : i32
    %swap3A_290 = arith.index_cast %swap3A_289 : i32 to index
    %swap3A_291 = arith.constant 320 : index
    %swap3A_292 = tpu.vector_load %arg6[%swap3A_290, %swap3A_291] {strides = array<i32>} : memref<1x1024xf32, #tpu.memory_space<vmem>>, vector<1x16xf32>,
    %swap3A_293 = vector.shape_cast %swap3A_292 : vector<1x16xf32> to vector<16xf32>
    %swap3A_294 = vector.shape_cast %mul3A_288 : vector<16xf32> to vector<1x16xf32>
    tpu.vector_store %arg6[%swap3A_290, %swap3A_291], %swap3A_294 {strides = array<i32>} : memref<1x1024xf32, #tpu.memory_space<vmem>>, vector<1x16xf32>,
    %get3A_295 = arith.constant 0 : i32
    %get3A_296 = arith.index_cast %get3A_295 : i32 to index
    %get3A_297 = arith.constant 336 : index
    %get3A_298 = tpu.vector_load %arg6[%get3A_296, %get3A_297] {strides = array<i32>} : memref<1x1024xf32, #tpu.memory_space<vmem>>, vector<1x16xf32>,
    %get3A_299 = vector.shape_cast %get3A_298 : vector<1x16xf32> to vector<16xf32>
    %mul3A_300 = arith.constant 3.125000e-02 : f32
    %mul3A_301 = vector.broadcast %mul3A_300 : f32 to vector<16xf32>
    %mul3A_302 = arith.mulf %get3A_299, %mul3A_301 : vector<16xf32>
    %swap3A_303 = arith.constant 0 : i32
    %swap3A_304 = arith.index_cast %swap3A_303 : i32 to index
    %swap3A_305 = arith.constant 336 : index
    %swap3A_306 = tpu.vector_load %arg6[%swap3A_304, %swap3A_305] {strides = array<i32>} : memref<1x1024xf32, #tpu.memory_space<vmem>>, vector<1x16xf32>,
    %swap3A_307 = vector.shape_cast %swap3A_306 : vector<1x16xf32> to vector<16xf32>
    %swap3A_308 = vector.shape_cast %mul3A_302 : vector<16xf32> to vector<1x16xf32>
    tpu.vector_store %arg6[%swap3A_304, %swap3A_305], %swap3A_308 {strides = array<i32>} : memref<1x1024xf32, #tpu.memory_space<vmem>>, vector<1x16xf32>,
    %get3A_309 = arith.constant 0 : i32
    %get3A_310 = arith.index_cast %get3A_309 : i32 to index
    %get3A_311 = arith.constant 352 : index
    %get3A_312 = tpu.vector_load %arg6[%get3A_310, %get3A_311] {strides = array<i32>} : memref<1x1024xf32, #tpu.memory_space<vmem>>, vector<1x16xf32>,
    %get3A_313 = vector.shape_cast %get3A_312 : vector<1x16xf32> to vector<16xf32>
    %mul3A_314 = arith.constant 3.125000e-02 : f32
    %mul3A_315 = vector.broadcast %mul3A_314 : f32 to vector<16xf32>
    %mul3A_316 = arith.mulf %get3A_313, %mul3A_315 : vector<16xf32>
    %swap3A_317 = arith.constant 0 : i32
    %swap3A_318 = arith.index_cast %swap3A_317 : i32 to index
    %swap3A_319 = arith.constant 352 : index
    %swap3A_320 = tpu.vector_load %arg6[%swap3A_318, %swap3A_319] {strides = array<i32>} : memref<1x1024xf32, #tpu.memory_space<vmem>>, vector<1x16xf32>,
    %swap3A_321 = vector.shape_cast %swap3A_320 : vector<1x16xf32> to vector<16xf32>
    %swap3A_322 = vector.shape_cast %mul3A_316 : vector<16xf32> to vector<1x16xf32>
    tpu.vector_store %arg6[%swap3A_318, %swap3A_319], %swap3A_322 {strides = array<i32>} : memref<1x1024xf32, #tpu.memory_space<vmem>>, vector<1x16xf32>,
    %get3A_323 = arith.constant 0 : i32
    %get3A_324 = arith.index_cast %get3A_323 : i32 to index
    %get3A_325 = arith.constant 368 : index
    %get3A_326 = tpu.vector_load %arg6[%get3A_324, %get3A_325] {strides = array<i32>} : memref<1x1024xf32, #tpu.memory_space<vmem>>, vector<1x16xf32>,
    %get3A_327 = vector.shape_cast %get3A_326 : vector<1x16xf32> to vector<16xf32>
    %mul3A_328 = arith.constant 3.125000e-02 : f32
    %mul3A_329 = vector.broadcast %mul3A_328 : f32 to vector<16xf32>
    %mul3A_330 = arith.mulf %get3A_327, %mul3A_329 : vector<16xf32>
    %swap3A_331 = arith.constant 0 : i32
    %swap3A_332 = arith.index_cast %swap3A_331 : i32 to index
    %swap3A_333 = arith.constant 368 : index
    %swap3A_334 = tpu.vector_load %arg6[%swap3A_332, %swap3A_333] {strides = array<i32>} : memref<1x1024xf32, #tpu.memory_space<vmem>>, vector<1x16xf32>,
    %swap3A_335 = vector.shape_cast %swap3A_334 : vector<1x16xf32> to vector<16xf32>
    %swap3A_336 = vector.shape_cast %mul3A_330 : vector<16xf32> to vector<1x16xf32>
    tpu.vector_store %arg6[%swap3A_332, %swap3A_333], %swap3A_336 {strides = array<i32>} : memref<1x1024xf32, #tpu.memory_space<vmem>>, vector<1x16xf32>,
    %get3A_337 = arith.constant 0 : i32
    %get3A_338 = arith.index_cast %get3A_337 : i32 to index
    %get3A_339 = arith.constant 384 : index
    %get3A_340 = tpu.vector_load %arg6[%get3A_338, %get3A_339] {strides = array<i32>} : memref<1x1024xf32, #tpu.memory_space<vmem>>, vector<1x16xf32>,
    %get3A_341 = vector.shape_cast %get3A_340 : vector<1x16xf32> to vector<16xf32>
    %mul3A_342 = arith.constant 3.125000e-02 : f32
    %mul3A_343 = vector.broadcast %mul3A_342 : f32 to vector<16xf32>
    %mul3A_344 = arith.mulf %get3A_341, %mul3A_343 : vector<16xf32>
    %swap3A_345 = arith.constant 0 : i32
    %swap3A_346 = arith.index_cast %swap3A_345 : i32 to index
    %swap3A_347 = arith.constant 384 : index
    %swap3A_348 = tpu.vector_load %arg6[%swap3A_346, %swap3A_347] {strides = array<i32>} : memref<1x1024xf32, #tpu.memory_space<vmem>>, vector<1x16xf32>,
    %swap3A_349 = vector.shape_cast %swap3A_348 : vector<1x16xf32> to vector<16xf32>
    %swap3A_350 = vector.shape_cast %mul3A_344 : vector<16xf32> to vector<1x16xf32>
    tpu.vector_store %arg6[%swap3A_346, %swap3A_347], %swap3A_350 {strides = array<i32>} : memref<1x1024xf32, #tpu.memory_space<vmem>>, vector<1x16xf32>,
    %get3A_351 = arith.constant 0 : i32
    %get3A_352 = arith.index_cast %get3A_351 : i32 to index
    %get3A_353 = arith.constant 400 : index
    %get3A_354 = tpu.vector_load %arg6[%get3A_352, %get3A_353] {strides = array<i32>} : memref<1x1024xf32, #tpu.memory_space<vmem>>, vector<1x16xf32>,
    %get3A_355 = vector.shape_cast %get3A_354 : vector<1x16xf32> to vector<16xf32>
    %mul3A_356 = arith.constant 3.125000e-02 : f32
    %mul3A_357 = vector.broadcast %mul3A_356 : f32 to vector<16xf32>
    %mul3A_358 = arith.mulf %get3A_355, %mul3A_357 : vector<16xf32>
    %swap3A_359 = arith.constant 0 : i32
    %swap3A_360 = arith.index_cast %swap3A_359 : i32 to index
    %swap3A_361 = arith.constant 400 : index
    %swap3A_362 = tpu.vector_load %arg6[%swap3A_360, %swap3A_361] {strides = array<i32>} : memref<1x1024xf32, #tpu.memory_space<vmem>>, vector<1x16xf32>,
    %swap3A_363 = vector.shape_cast %swap3A_362 : vector<1x16xf32> to vector<16xf32>
    %swap3A_364 = vector.shape_cast %mul3A_358 : vector<16xf32> to vector<1x16xf32>
    tpu.vector_store %arg6[%swap3A_360, %swap3A_361], %swap3A_364 {strides = array<i32>} : memref<1x1024xf32, #tpu.memory_space<vmem>>, vector<1x16xf32>,
    %get3A_365 = arith.constant 0 : i32
    %get3A_366 = arith.index_cast %get3A_365 : i32 to index
    %get3A_367 = arith.constant 416 : index
    %get3A_368 = tpu.vector_load %arg6[%get3A_366, %get3A_367] {strides = array<i32>} : memref<1x1024xf32, #tpu.memory_space<vmem>>, vector<1x16xf32>,
    %get3A_369 = vector.shape_cast %get3A_368 : vector<1x16xf32> to vector<16xf32>
    %mul3A_370 = arith.constant 3.125000e-02 : f32
    %mul3A_371 = vector.broadcast %mul3A_370 : f32 to vector<16xf32>
    %mul3A_372 = arith.mulf %get3A_369, %mul3A_371 : vector<16xf32>
    %swap3A_373 = arith.constant 0 : i32
    %swap3A_374 = arith.index_cast %swap3A_373 : i32 to index
    %swap3A_375 = arith.constant 416 : index
    %swap3A_376 = tpu.vector_load %arg6[%swap3A_374, %swap3A_375] {strides = array<i32>} : memref<1x1024xf32, #tpu.memory_space<vmem>>, vector<1x16xf32>,
    %swap3A_377 = vector.shape_cast %swap3A_376 : vector<1x16xf32> to vector<16xf32>
    %swap3A_378 = vector.shape_cast %mul3A_372 : vector<16xf32> to vector<1x16xf32>
    tpu.vector_store %arg6[%swap3A_374, %swap3A_375], %swap3A_378 {strides = array<i32>} : memref<1x1024xf32, #tpu.memory_space<vmem>>, vector<1x16xf32>,
    %get3A_379 = arith.constant 0 : i32
    %get3A_380 = arith.index_cast %get3A_379 : i32 to index
    %get3A_381 = arith.constant 432 : index
    %get3A_382 = tpu.vector_load %arg6[%get3A_380, %get3A_381] {strides = array<i32>} : memref<1x1024xf32, #tpu.memory_space<vmem>>, vector<1x16xf32>,
    %get3A_383 = vector.shape_cast %get3A_382 : vector<1x16xf32> to vector<16xf32>
    %mul3A_384 = arith.constant 3.125000e-02 : f32
    %mul3A_385 = vector.broadcast %mul3A_384 : f32 to vector<16xf32>
    %mul3A_386 = arith.mulf %get3A_383, %mul3A_385 : vector<16xf32>
    %swap3A_387 = arith.constant 0 : i32
    %swap3A_388 = arith.index_cast %swap3A_387 : i32 to index
    %swap3A_389 = arith.constant 432 : index
    %swap3A_390 = tpu.vector_load %arg6[%swap3A_388, %swap3A_389] {strides = array<i32>} : memref<1x1024xf32, #tpu.memory_space<vmem>>, vector<1x16xf32>,
    %swap3A_391 = vector.shape_cast %swap3A_390 : vector<1x16xf32> to vector<16xf32>
    %swap3A_392 = vector.shape_cast %mul3A_386 : vector<16xf32> to vector<1x16xf32>
    tpu.vector_store %arg6[%swap3A_388, %swap3A_389], %swap3A_392 {strides = array<i32>} : memref<1x1024xf32, #tpu.memory_space<vmem>>, vector<1x16xf32>,
    %get3A_393 = arith.constant 0 : i32
    %get3A_394 = arith.index_cast %get3A_393 : i32 to index
    %get3A_395 = arith.constant 448 : index
    %get3A_396 = tpu.vector_load %arg6[%get3A_394, %get3A_395] {strides = array<i32>} : memref<1x1024xf32, #tpu.memory_space<vmem>>, vector<1x16xf32>,
    %get3A_397 = vector.shape_cast %get3A_396 : vector<1x16xf32> to vector<16xf32>
    %mul3A_398 = arith.constant 3.125000e-02 : f32
    %mul3A_399 = vector.broadcast %mul3A_398 : f32 to vector<16xf32>
    %mul3A_400 = arith.mulf %get3A_397, %mul3A_399 : vector<16xf32>
    %swap3A_401 = arith.constant 0 : i32
    %swap3A_402 = arith.index_cast %swap3A_401 : i32 to index
    %swap3A_403 = arith.constant 448 : index
    %swap3A_404 = tpu.vector_load %arg6[%swap3A_402, %swap3A_403] {strides = array<i32>} : memref<1x1024xf32, #tpu.memory_space<vmem>>, vector<1x16xf32>,
    %swap3A_405 = vector.shape_cast %swap3A_404 : vector<1x16xf32> to vector<16xf32>
    %swap3A_406 = vector.shape_cast %mul3A_400 : vector<16xf32> to vector<1x16xf32>
    tpu.vector_store %arg6[%swap3A_402, %swap3A_403], %swap3A_406 {strides = array<i32>} : memref<1x1024xf32, #tpu.memory_space<vmem>>, vector<1x16xf32>,
    %get3A_407 = arith.constant 0 : i32
    %get3A_408 = arith.index_cast %get3A_407 : i32 to index
    %get3A_409 = arith.constant 464 : index
    %get3A_410 = tpu.vector_load %arg6[%get3A_408, %get3A_409] {strides = array<i32>} : memref<1x1024xf32, #tpu.memory_space<vmem>>, vector<1x16xf32>,
    %get3A_411 = vector.shape_cast %get3A_410 : vector<1x16xf32> to vector<16xf32>
    %mul3A_412 = arith.constant 3.125000e-02 : f32
    %mul3A_413 = vector.broadcast %mul3A_412 : f32 to vector<16xf32>
    %mul3A_414 = arith.mulf %get3A_411, %mul3A_413 : vector<16xf32>
    %swap3A_415 = arith.constant 0 : i32
    %swap3A_416 = arith.index_cast %swap3A_415 : i32 to index
    %swap3A_417 = arith.constant 464 : index
    %swap3A_418 = tpu.vector_load %arg6[%swap3A_416, %swap3A_417] {strides = array<i32>} : memref<1x1024xf32, #tpu.memory_space<vmem>>, vector<1x16xf32>,
    %swap3A_419 = vector.shape_cast %swap3A_418 : vector<1x16xf32> to vector<16xf32>
    %swap3A_420 = vector.shape_cast %mul3A_414 : vector<16xf32> to vector<1x16xf32>
    tpu.vector_store %arg6[%swap3A_416, %swap3A_417], %swap3A_420 {strides = array<i32>} : memref<1x1024xf32, #tpu.memory_space<vmem>>, vector<1x16xf32>,
    %get3A_421 = arith.constant 0 : i32
    %get3A_422 = arith.index_cast %get3A_421 : i32 to index
    %get3A_423 = arith.constant 480 : index
    %get3A_424 = tpu.vector_load %arg6[%get3A_422, %get3A_423] {strides = array<i32>} : memref<1x1024xf32, #tpu.memory_space<vmem>>, vector<1x16xf32>,
    %get3A_425 = vector.shape_cast %get3A_424 : vector<1x16xf32> to vector<16xf32>
    %mul3A_426 = arith.constant 3.125000e-02 : f32
    %mul3A_427 = vector.broadcast %mul3A_426 : f32 to vector<16xf32>
    %mul3A_428 = arith.mulf %get3A_425, %mul3A_427 : vector<16xf32>
    %swap3A_429 = arith.constant 0 : i32
    %swap3A_430 = arith.index_cast %swap3A_429 : i32 to index
    %swap3A_431 = arith.constant 480 : index
    %swap3A_432 = tpu.vector_load %arg6[%swap3A_430, %swap3A_431] {strides = array<i32>} : memref<1x1024xf32, #tpu.memory_space<vmem>>, vector<1x16xf32>,
    %swap3A_433 = vector.shape_cast %swap3A_432 : vector<1x16xf32> to vector<16xf32>
    %swap3A_434 = vector.shape_cast %mul3A_428 : vector<16xf32> to vector<1x16xf32>
    tpu.vector_store %arg6[%swap3A_430, %swap3A_431], %swap3A_434 {strides = array<i32>} : memref<1x1024xf32, #tpu.memory_space<vmem>>, vector<1x16xf32>,
    %get3A_435 = arith.constant 0 : i32
    %get3A_436 = arith.index_cast %get3A_435 : i32 to index
    %get3A_437 = arith.constant 496 : index
    %get3A_438 = tpu.vector_load %arg6[%get3A_436, %get3A_437] {strides = array<i32>} : memref<1x1024xf32, #tpu.memory_space<vmem>>, vector<1x16xf32>,
    %get3A_439 = vector.shape_cast %get3A_438 : vector<1x16xf32> to vector<16xf32>
    %mul3A_440 = arith.constant 3.125000e-02 : f32
    %mul3A_441 = vector.broadcast %mul3A_440 : f32 to vector<16xf32>
    %mul3A_442 = arith.mulf %get3A_439, %mul3A_441 : vector<16xf32>
    %swap3A_443 = arith.constant 0 : i32
    %swap3A_444 = arith.index_cast %swap3A_443 : i32 to index
    %swap3A_445 = arith.constant 496 : index
    %swap3A_446 = tpu.vector_load %arg6[%swap3A_444, %swap3A_445] {strides = array<i32>} : memref<1x1024xf32, #tpu.memory_space<vmem>>, vector<1x16xf32>,
    %swap3A_447 = vector.shape_cast %swap3A_446 : vector<1x16xf32> to vector<16xf32>
    %swap3A_448 = vector.shape_cast %mul3A_442 : vector<16xf32> to vector<1x16xf32>
    tpu.vector_store %arg6[%swap3A_444, %swap3A_445], %swap3A_448 {strides = array<i32>} : memref<1x1024xf32, #tpu.memory_space<vmem>>, vector<1x16xf32>,
    %get3A_449 = arith.constant 0 : i32
    %get3A_450 = arith.index_cast %get3A_449 : i32 to index
    %get3A_451 = arith.constant 512 : index
    %get3A_452 = tpu.vector_load %arg6[%get3A_450, %get3A_451] {strides = array<i32>} : memref<1x1024xf32, #tpu.memory_space<vmem>>, vector<1x16xf32>,
    %get3A_453 = vector.shape_cast %get3A_452 : vector<1x16xf32> to vector<16xf32>
    %mul3A_454 = arith.constant 3.125000e-02 : f32
    %mul3A_455 = vector.broadcast %mul3A_454 : f32 to vector<16xf32>
    %mul3A_456 = arith.mulf %get3A_453, %mul3A_455 : vector<16xf32>
    %swap3A_457 = arith.constant 0 : i32
    %swap3A_458 = arith.index_cast %swap3A_457 : i32 to index
    %swap3A_459 = arith.constant 512 : index
    %swap3A_460 = tpu.vector_load %arg6[%swap3A_458, %swap3A_459] {strides = array<i32>} : memref<1x1024xf32, #tpu.memory_space<vmem>>, vector<1x16xf32>,
    %swap3A_461 = vector.shape_cast %swap3A_460 : vector<1x16xf32> to vector<16xf32>
    %swap3A_462 = vector.shape_cast %mul3A_456 : vector<16xf32> to vector<1x16xf32>
    tpu.vector_store %arg6[%swap3A_458, %swap3A_459], %swap3A_462 {strides = array<i32>} : memref<1x1024xf32, #tpu.memory_space<vmem>>, vector<1x16xf32>,
    %get3A_463 = arith.constant 0 : i32
    %get3A_464 = arith.index_cast %get3A_463 : i32 to index
    %get3A_465 = arith.constant 528 : index
    %get3A_466 = tpu.vector_load %arg6[%get3A_464, %get3A_465] {strides = array<i32>} : memref<1x1024xf32, #tpu.memory_space<vmem>>, vector<1x16xf32>,
    %get3A_467 = vector.shape_cast %get3A_466 : vector<1x16xf32> to vector<16xf32>
    %mul3A_468 = arith.constant 3.125000e-02 : f32
    %mul3A_469 = vector.broadcast %mul3A_468 : f32 to vector<16xf32>
    %mul3A_470 = arith.mulf %get3A_467, %mul3A_469 : vector<16xf32>
    %swap3A_471 = arith.constant 0 : i32
    %swap3A_472 = arith.index_cast %swap3A_471 : i32 to index
    %swap3A_473 = arith.constant 528 : index
    %swap3A_474 = tpu.vector_load %arg6[%swap3A_472, %swap3A_473] {strides = array<i32>} : memref<1x1024xf32, #tpu.memory_space<vmem>>, vector<1x16xf32>,
    %swap3A_475 = vector.shape_cast %swap3A_474 : vector<1x16xf32> to vector<16xf32>
    %swap3A_476 = vector.shape_cast %mul3A_470 : vector<16xf32> to vector<1x16xf32>
    tpu.vector_store %arg6[%swap3A_472, %swap3A_473], %swap3A_476 {strides = array<i32>} : memref<1x1024xf32, #tpu.memory_space<vmem>>, vector<1x16xf32>,
    %get3A_477 = arith.constant 0 : i32
    %get3A_478 = arith.index_cast %get3A_477 : i32 to index
    %get3A_479 = arith.constant 544 : index
    %get3A_480 = tpu.vector_load %arg6[%get3A_478, %get3A_479] {strides = array<i32>} : memref<1x1024xf32, #tpu.memory_space<vmem>>, vector<1x16xf32>,
    %get3A_481 = vector.shape_cast %get3A_480 : vector<1x16xf32> to vector<16xf32>
    %mul3A_482 = arith.constant 3.125000e-02 : f32
    %mul3A_483 = vector.broadcast %mul3A_482 : f32 to vector<16xf32>
    %mul3A_484 = arith.mulf %get3A_481, %mul3A_483 : vector<16xf32>
    %swap3A_485 = arith.constant 0 : i32
    %swap3A_486 = arith.index_cast %swap3A_485 : i32 to index
    %swap3A_487 = arith.constant 544 : index
    %swap3A_488 = tpu.vector_load %arg6[%swap3A_486, %swap3A_487] {strides = array<i32>} : memref<1x1024xf32, #tpu.memory_space<vmem>>, vector<1x16xf32>,
    %swap3A_489 = vector.shape_cast %swap3A_488 : vector<1x16xf32> to vector<16xf32>
    %swap3A_490 = vector.shape_cast %mul3A_484 : vector<16xf32> to vector<1x16xf32>
    tpu.vector_store %arg6[%swap3A_486, %swap3A_487], %swap3A_490 {strides = array<i32>} : memref<1x1024xf32, #tpu.memory_space<vmem>>, vector<1x16xf32>,
    %get3A_491 = arith.constant 0 : i32
    %get3A_492 = arith.index_cast %get3A_491 : i32 to index
    %get3A_493 = arith.constant 560 : index
    %get3A_494 = tpu.vector_load %arg6[%get3A_492, %get3A_493] {strides = array<i32>} : memref<1x1024xf32, #tpu.memory_space<vmem>>, vector<1x16xf32>,
    %get3A_495 = vector.shape_cast %get3A_494 : vector<1x16xf32> to vector<16xf32>
    %mul3A_496 = arith.constant 3.125000e-02 : f32
    %mul3A_497 = vector.broadcast %mul3A_496 : f32 to vector<16xf32>
    %mul3A_498 = arith.mulf %get3A_495, %mul3A_497 : vector<16xf32>
    %swap3A_499 = arith.constant 0 : i32
    %swap3A_500 = arith.index_cast %swap3A_499 : i32 to index
    %swap3A_501 = arith.constant 560 : index
    %swap3A_502 = tpu.vector_load %arg6[%swap3A_500, %swap3A_501] {strides = array<i32>} : memref<1x1024xf32, #tpu.memory_space<vmem>>, vector<1x16xf32>,
    %swap3A_503 = vector.shape_cast %swap3A_502 : vector<1x16xf32> to vector<16xf32>
    %swap3A_504 = vector.shape_cast %mul3A_498 : vector<16xf32> to vector<1x16xf32>
    tpu.vector_store %arg6[%swap3A_500, %swap3A_501], %swap3A_504 {strides = array<i32>} : memref<1x1024xf32, #tpu.memory_space<vmem>>, vector<1x16xf32>,
    %get3A_505 = arith.constant 0 : i32
    %get3A_506 = arith.index_cast %get3A_505 : i32 to index
    %get3A_507 = arith.constant 576 : index
    %get3A_508 = tpu.vector_load %arg6[%get3A_506, %get3A_507] {strides = array<i32>} : memref<1x1024xf32, #tpu.memory_space<vmem>>, vector<1x16xf32>,
    %get3A_509 = vector.shape_cast %get3A_508 : vector<1x16xf32> to vector<16xf32>
    %mul3A_510 = arith.constant 3.125000e-02 : f32
    %mul3A_511 = vector.broadcast %mul3A_510 : f32 to vector<16xf32>
    %mul3A_512 = arith.mulf %get3A_509, %mul3A_511 : vector<16xf32>
    %swap3A_513 = arith.constant 0 : i32
    %swap3A_514 = arith.index_cast %swap3A_513 : i32 to index
    %swap3A_515 = arith.constant 576 : index
    %swap3A_516 = tpu.vector_load %arg6[%swap3A_514, %swap3A_515] {strides = array<i32>} : memref<1x1024xf32, #tpu.memory_space<vmem>>, vector<1x16xf32>,
    %swap3A_517 = vector.shape_cast %swap3A_516 : vector<1x16xf32> to vector<16xf32>
    %swap3A_518 = vector.shape_cast %mul3A_512 : vector<16xf32> to vector<1x16xf32>
    tpu.vector_store %arg6[%swap3A_514, %swap3A_515], %swap3A_518 {strides = array<i32>} : memref<1x1024xf32, #tpu.memory_space<vmem>>, vector<1x16xf32>,
    %get3A_519 = arith.constant 0 : i32
    %get3A_520 = arith.index_cast %get3A_519 : i32 to index
    %get3A_521 = arith.constant 592 : index
    %get3A_522 = tpu.vector_load %arg6[%get3A_520, %get3A_521] {strides = array<i32>} : memref<1x1024xf32, #tpu.memory_space<vmem>>, vector<1x16xf32>,
    %get3A_523 = vector.shape_cast %get3A_522 : vector<1x16xf32> to vector<16xf32>
    %mul3A_524 = arith.constant 3.125000e-02 : f32
    %mul3A_525 = vector.broadcast %mul3A_524 : f32 to vector<16xf32>
    %mul3A_526 = arith.mulf %get3A_523, %mul3A_525 : vector<16xf32>
    %swap3A_527 = arith.constant 0 : i32
    %swap3A_528 = arith.index_cast %swap3A_527 : i32 to index
    %swap3A_529 = arith.constant 592 : index
    %swap3A_530 = tpu.vector_load %arg6[%swap3A_528, %swap3A_529] {strides = array<i32>} : memref<1x1024xf32, #tpu.memory_space<vmem>>, vector<1x16xf32>,
    %swap3A_531 = vector.shape_cast %swap3A_530 : vector<1x16xf32> to vector<16xf32>
    %swap3A_532 = vector.shape_cast %mul3A_526 : vector<16xf32> to vector<1x16xf32>
    tpu.vector_store %arg6[%swap3A_528, %swap3A_529], %swap3A_532 {strides = array<i32>} : memref<1x1024xf32, #tpu.memory_space<vmem>>, vector<1x16xf32>,
    %get3A_533 = arith.constant 0 : i32
    %get3A_534 = arith.index_cast %get3A_533 : i32 to index
    %get3A_535 = arith.constant 608 : index
    %get3A_536 = tpu.vector_load %arg6[%get3A_534, %get3A_535] {strides = array<i32>} : memref<1x1024xf32, #tpu.memory_space<vmem>>, vector<1x16xf32>,
    %get3A_537 = vector.shape_cast %get3A_536 : vector<1x16xf32> to vector<16xf32>
    %mul3A_538 = arith.constant 3.125000e-02 : f32
    %mul3A_539 = vector.broadcast %mul3A_538 : f32 to vector<16xf32>
    %mul3A_540 = arith.mulf %get3A_537, %mul3A_539 : vector<16xf32>
    %swap3A_541 = arith.constant 0 : i32
    %swap3A_542 = arith.index_cast %swap3A_541 : i32 to index
    %swap3A_543 = arith.constant 608 : index
    %swap3A_544 = tpu.vector_load %arg6[%swap3A_542, %swap3A_543] {strides = array<i32>} : memref<1x1024xf32, #tpu.memory_space<vmem>>, vector<1x16xf32>,
    %swap3A_545 = vector.shape_cast %swap3A_544 : vector<1x16xf32> to vector<16xf32>
    %swap3A_546 = vector.shape_cast %mul3A_540 : vector<16xf32> to vector<1x16xf32>
    tpu.vector_store %arg6[%swap3A_542, %swap3A_543], %swap3A_546 {strides = array<i32>} : memref<1x1024xf32, #tpu.memory_space<vmem>>, vector<1x16xf32>,
    %get3A_547 = arith.constant 0 : i32
    %get3A_548 = arith.index_cast %get3A_547 : i32 to index
    %get3A_549 = arith.constant 624 : index
    %get3A_550 = tpu.vector_load %arg6[%get3A_548, %get3A_549] {strides = array<i32>} : memref<1x1024xf32, #tpu.memory_space<vmem>>, vector<1x16xf32>,
    %get3A_551 = vector.shape_cast %get3A_550 : vector<1x16xf32> to vector<16xf32>
    %mul3A_552 = arith.constant 3.125000e-02 : f32
    %mul3A_553 = vector.broadcast %mul3A_552 : f32 to vector<16xf32>
    %mul3A_554 = arith.mulf %get3A_551, %mul3A_553 : vector<16xf32>
    %swap3A_555 = arith.constant 0 : i32
    %swap3A_556 = arith.index_cast %swap3A_555 : i32 to index
    %swap3A_557 = arith.constant 624 : index
    %swap3A_558 = tpu.vector_load %arg6[%swap3A_556, %swap3A_557] {strides = array<i32>} : memref<1x1024xf32, #tpu.memory_space<vmem>>, vector<1x16xf32>,
    %swap3A_559 = vector.shape_cast %swap3A_558 : vector<1x16xf32> to vector<16xf32>
    %swap3A_560 = vector.shape_cast %mul3A_554 : vector<16xf32> to vector<1x16xf32>
    tpu.vector_store %arg6[%swap3A_556, %swap3A_557], %swap3A_560 {strides = array<i32>} : memref<1x1024xf32, #tpu.memory_space<vmem>>, vector<1x16xf32>,
    %get3A_561 = arith.constant 0 : i32
    %get3A_562 = arith.index_cast %get3A_561 : i32 to index
    %get3A_563 = arith.constant 640 : index
    %get3A_564 = tpu.vector_load %arg6[%get3A_562, %get3A_563] {strides = array<i32>} : memref<1x1024xf32, #tpu.memory_space<vmem>>, vector<1x16xf32>,
    %get3A_565 = vector.shape_cast %get3A_564 : vector<1x16xf32> to vector<16xf32>
    %mul3A_566 = arith.constant 3.125000e-02 : f32
    %mul3A_567 = vector.broadcast %mul3A_566 : f32 to vector<16xf32>
    %mul3A_568 = arith.mulf %get3A_565, %mul3A_567 : vector<16xf32>
    %swap3A_569 = arith.constant 0 : i32
    %swap3A_570 = arith.index_cast %swap3A_569 : i32 to index
    %swap3A_571 = arith.constant 640 : index
    %swap3A_572 = tpu.vector_load %arg6[%swap3A_570, %swap3A_571] {strides = array<i32>} : memref<1x1024xf32, #tpu.memory_space<vmem>>, vector<1x16xf32>,
    %swap3A_573 = vector.shape_cast %swap3A_572 : vector<1x16xf32> to vector<16xf32>
    %swap3A_574 = vector.shape_cast %mul3A_568 : vector<16xf32> to vector<1x16xf32>
    tpu.vector_store %arg6[%swap3A_570, %swap3A_571], %swap3A_574 {strides = array<i32>} : memref<1x1024xf32, #tpu.memory_space<vmem>>, vector<1x16xf32>,
    %get3A_575 = arith.constant 0 : i32
    %get3A_576 = arith.index_cast %get3A_575 : i32 to index
    %get3A_577 = arith.constant 656 : index
    %get3A_578 = tpu.vector_load %arg6[%get3A_576, %get3A_577] {strides = array<i32>} : memref<1x1024xf32, #tpu.memory_space<vmem>>, vector<1x16xf32>,
    %get3A_579 = vector.shape_cast %get3A_578 : vector<1x16xf32> to vector<16xf32>
    %mul3A_580 = arith.constant 3.125000e-02 : f32
    %mul3A_581 = vector.broadcast %mul3A_580 : f32 to vector<16xf32>
    %mul3A_582 = arith.mulf %get3A_579, %mul3A_581 : vector<16xf32>
    %swap3A_583 = arith.constant 0 : i32
    %swap3A_584 = arith.index_cast %swap3A_583 : i32 to index
    %swap3A_585 = arith.constant 656 : index
    %swap3A_586 = tpu.vector_load %arg6[%swap3A_584, %swap3A_585] {strides = array<i32>} : memref<1x1024xf32, #tpu.memory_space<vmem>>, vector<1x16xf32>,
    %swap3A_587 = vector.shape_cast %swap3A_586 : vector<1x16xf32> to vector<16xf32>
    %swap3A_588 = vector.shape_cast %mul3A_582 : vector<16xf32> to vector<1x16xf32>
    tpu.vector_store %arg6[%swap3A_584, %swap3A_585], %swap3A_588 {strides = array<i32>} : memref<1x1024xf32, #tpu.memory_space<vmem>>, vector<1x16xf32>,
    %get3A_589 = arith.constant 0 : i32
    %get3A_590 = arith.index_cast %get3A_589 : i32 to index
    %get3A_591 = arith.constant 672 : index
    %get3A_592 = tpu.vector_load %arg6[%get3A_590, %get3A_591] {strides = array<i32>} : memref<1x1024xf32, #tpu.memory_space<vmem>>, vector<1x16xf32>,
    %get3A_593 = vector.shape_cast %get3A_592 : vector<1x16xf32> to vector<16xf32>
    %mul3A_594 = arith.constant 3.125000e-02 : f32
    %mul3A_595 = vector.broadcast %mul3A_594 : f32 to vector<16xf32>
    %mul3A_596 = arith.mulf %get3A_593, %mul3A_595 : vector<16xf32>
    %swap3A_597 = arith.constant 0 : i32
    %swap3A_598 = arith.index_cast %swap3A_597 : i32 to index
    %swap3A_599 = arith.constant 672 : index
    %swap3A_600 = tpu.vector_load %arg6[%swap3A_598, %swap3A_599] {strides = array<i32>} : memref<1x1024xf32, #tpu.memory_space<vmem>>, vector<1x16xf32>,
    %swap3A_601 = vector.shape_cast %swap3A_600 : vector<1x16xf32> to vector<16xf32>
    %swap3A_602 = vector.shape_cast %mul3A_596 : vector<16xf32> to vector<1x16xf32>
    tpu.vector_store %arg6[%swap3A_598, %swap3A_599], %swap3A_602 {strides = array<i32>} : memref<1x1024xf32, #tpu.memory_space<vmem>>, vector<1x16xf32>,
    %get3A_603 = arith.constant 0 : i32
    %get3A_604 = arith.index_cast %get3A_603 : i32 to index
    %get3A_605 = arith.constant 688 : index
    %get3A_606 = tpu.vector_load %arg6[%get3A_604, %get3A_605] {strides = array<i32>} : memref<1x1024xf32, #tpu.memory_space<vmem>>, vector<1x16xf32>,
    %get3A_607 = vector.shape_cast %get3A_606 : vector<1x16xf32> to vector<16xf32>
    %mul3A_608 = arith.constant 3.125000e-02 : f32
    %mul3A_609 = vector.broadcast %mul3A_608 : f32 to vector<16xf32>
    %mul3A_610 = arith.mulf %get3A_607, %mul3A_609 : vector<16xf32>
    %swap3A_611 = arith.constant 0 : i32
    %swap3A_612 = arith.index_cast %swap3A_611 : i32 to index
    %swap3A_613 = arith.constant 688 : index
    %swap3A_614 = tpu.vector_load %arg6[%swap3A_612, %swap3A_613] {strides = array<i32>} : memref<1x1024xf32, #tpu.memory_space<vmem>>, vector<1x16xf32>,
    %swap3A_615 = vector.shape_cast %swap3A_614 : vector<1x16xf32> to vector<16xf32>
    %swap3A_616 = vector.shape_cast %mul3A_610 : vector<16xf32> to vector<1x16xf32>
    tpu.vector_store %arg6[%swap3A_612, %swap3A_613], %swap3A_616 {strides = array<i32>} : memref<1x1024xf32, #tpu.memory_space<vmem>>, vector<1x16xf32>,
    %get3A_617 = arith.constant 0 : i32
    %get3A_618 = arith.index_cast %get3A_617 : i32 to index
    %get3A_619 = arith.constant 704 : index
    %get3A_620 = tpu.vector_load %arg6[%get3A_618, %get3A_619] {strides = array<i32>} : memref<1x1024xf32, #tpu.memory_space<vmem>>, vector<1x16xf32>,
    %get3A_621 = vector.shape_cast %get3A_620 : vector<1x16xf32> to vector<16xf32>
    %mul3A_622 = arith.constant 3.125000e-02 : f32
    %mul3A_623 = vector.broadcast %mul3A_622 : f32 to vector<16xf32>
    %mul3A_624 = arith.mulf %get3A_621, %mul3A_623 : vector<16xf32>
    %swap3A_625 = arith.constant 0 : i32
    %swap3A_626 = arith.index_cast %swap3A_625 : i32 to index
    %swap3A_627 = arith.constant 704 : index
    %swap3A_628 = tpu.vector_load %arg6[%swap3A_626, %swap3A_627] {strides = array<i32>} : memref<1x1024xf32, #tpu.memory_space<vmem>>, vector<1x16xf32>,
    %swap3A_629 = vector.shape_cast %swap3A_628 : vector<1x16xf32> to vector<16xf32>
    %swap3A_630 = vector.shape_cast %mul3A_624 : vector<16xf32> to vector<1x16xf32>
    tpu.vector_store %arg6[%swap3A_626, %swap3A_627], %swap3A_630 {strides = array<i32>} : memref<1x1024xf32, #tpu.memory_space<vmem>>, vector<1x16xf32>,
    %get3A_631 = arith.constant 0 : i32
    %get3A_632 = arith.index_cast %get3A_631 : i32 to index
    %get3A_633 = arith.constant 720 : index
    %get3A_634 = tpu.vector_load %arg6[%get3A_632, %get3A_633] {strides = array<i32>} : memref<1x1024xf32, #tpu.memory_space<vmem>>, vector<1x16xf32>,
    %get3A_635 = vector.shape_cast %get3A_634 : vector<1x16xf32> to vector<16xf32>
    %mul3A_636 = arith.constant 3.125000e-02 : f32
    %mul3A_637 = vector.broadcast %mul3A_636 : f32 to vector<16xf32>
    %mul3A_638 = arith.mulf %get3A_635, %mul3A_637 : vector<16xf32>
    %swap3A_639 = arith.constant 0 : i32
    %swap3A_640 = arith.index_cast %swap3A_639 : i32 to index
    %swap3A_641 = arith.constant 720 : index
    %swap3A_642 = tpu.vector_load %arg6[%swap3A_640, %swap3A_641] {strides = array<i32>} : memref<1x1024xf32, #tpu.memory_space<vmem>>, vector<1x16xf32>,
    %swap3A_643 = vector.shape_cast %swap3A_642 : vector<1x16xf32> to vector<16xf32>
    %swap3A_644 = vector.shape_cast %mul3A_638 : vector<16xf32> to vector<1x16xf32>
    tpu.vector_store %arg6[%swap3A_640, %swap3A_641], %swap3A_644 {strides = array<i32>} : memref<1x1024xf32, #tpu.memory_space<vmem>>, vector<1x16xf32>,
    %get3A_645 = arith.constant 0 : i32
    %get3A_646 = arith.index_cast %get3A_645 : i32 to index
    %get3A_647 = arith.constant 736 : index
    %get3A_648 = tpu.vector_load %arg6[%get3A_646, %get3A_647] {strides = array<i32>} : memref<1x1024xf32, #tpu.memory_space<vmem>>, vector<1x16xf32>,
    %get3A_649 = vector.shape_cast %get3A_648 : vector<1x16xf32> to vector<16xf32>
    %mul3A_650 = arith.constant 3.125000e-02 : f32
    %mul3A_651 = vector.broadcast %mul3A_650 : f32 to vector<16xf32>
    %mul3A_652 = arith.mulf %get3A_649, %mul3A_651 : vector<16xf32>
    %swap3A_653 = arith.constant 0 : i32
    %swap3A_654 = arith.index_cast %swap3A_653 : i32 to index
    %swap3A_655 = arith.constant 736 : index
    %swap3A_656 = tpu.vector_load %arg6[%swap3A_654, %swap3A_655] {strides = array<i32>} : memref<1x1024xf32, #tpu.memory_space<vmem>>, vector<1x16xf32>,
    %swap3A_657 = vector.shape_cast %swap3A_656 : vector<1x16xf32> to vector<16xf32>
    %swap3A_658 = vector.shape_cast %mul3A_652 : vector<16xf32> to vector<1x16xf32>
    tpu.vector_store %arg6[%swap3A_654, %swap3A_655], %swap3A_658 {strides = array<i32>} : memref<1x1024xf32, #tpu.memory_space<vmem>>, vector<1x16xf32>,
    %get3A_659 = arith.constant 0 : i32
    %get3A_660 = arith.index_cast %get3A_659 : i32 to index
    %get3A_661 = arith.constant 752 : index
    %get3A_662 = tpu.vector_load %arg6[%get3A_660, %get3A_661] {strides = array<i32>} : memref<1x1024xf32, #tpu.memory_space<vmem>>, vector<1x16xf32>,
    %get3A_663 = vector.shape_cast %get3A_662 : vector<1x16xf32> to vector<16xf32>
    %mul3A_664 = arith.constant 3.125000e-02 : f32
    %mul3A_665 = vector.broadcast %mul3A_664 : f32 to vector<16xf32>
    %mul3A_666 = arith.mulf %get3A_663, %mul3A_665 : vector<16xf32>
    %swap3A_667 = arith.constant 0 : i32
    %swap3A_668 = arith.index_cast %swap3A_667 : i32 to index
    %swap3A_669 = arith.constant 752 : index
    %swap3A_670 = tpu.vector_load %arg6[%swap3A_668, %swap3A_669] {strides = array<i32>} : memref<1x1024xf32, #tpu.memory_space<vmem>>, vector<1x16xf32>,
    %swap3A_671 = vector.shape_cast %swap3A_670 : vector<1x16xf32> to vector<16xf32>
    %swap3A_672 = vector.shape_cast %mul3A_666 : vector<16xf32> to vector<1x16xf32>
    tpu.vector_store %arg6[%swap3A_668, %swap3A_669], %swap3A_672 {strides = array<i32>} : memref<1x1024xf32, #tpu.memory_space<vmem>>, vector<1x16xf32>,
    %get3A_673 = arith.constant 0 : i32
    %get3A_674 = arith.index_cast %get3A_673 : i32 to index
    %get3A_675 = arith.constant 768 : index
    %get3A_676 = tpu.vector_load %arg6[%get3A_674, %get3A_675] {strides = array<i32>} : memref<1x1024xf32, #tpu.memory_space<vmem>>, vector<1x16xf32>,
    %get3A_677 = vector.shape_cast %get3A_676 : vector<1x16xf32> to vector<16xf32>
    %mul3A_678 = arith.constant 3.125000e-02 : f32
    %mul3A_679 = vector.broadcast %mul3A_678 : f32 to vector<16xf32>
    %mul3A_680 = arith.mulf %get3A_677, %mul3A_679 : vector<16xf32>
    %swap3A_681 = arith.constant 0 : i32
    %swap3A_682 = arith.index_cast %swap3A_681 : i32 to index
    %swap3A_683 = arith.constant 768 : index
    %swap3A_684 = tpu.vector_load %arg6[%swap3A_682, %swap3A_683] {strides = array<i32>} : memref<1x1024xf32, #tpu.memory_space<vmem>>, vector<1x16xf32>,
    %swap3A_685 = vector.shape_cast %swap3A_684 : vector<1x16xf32> to vector<16xf32>
    %swap3A_686 = vector.shape_cast %mul3A_680 : vector<16xf32> to vector<1x16xf32>
    tpu.vector_store %arg6[%swap3A_682, %swap3A_683], %swap3A_686 {strides = array<i32>} : memref<1x1024xf32, #tpu.memory_space<vmem>>, vector<1x16xf32>,
    %get3A_687 = arith.constant 0 : i32
    %get3A_688 = arith.index_cast %get3A_687 : i32 to index
    %get3A_689 = arith.constant 784 : index
    %get3A_690 = tpu.vector_load %arg6[%get3A_688, %get3A_689] {strides = array<i32>} : memref<1x1024xf32, #tpu.memory_space<vmem>>, vector<1x16xf32>,
    %get3A_691 = vector.shape_cast %get3A_690 : vector<1x16xf32> to vector<16xf32>
    %mul3A_692 = arith.constant 3.125000e-02 : f32
    %mul3A_693 = vector.broadcast %mul3A_692 : f32 to vector<16xf32>
    %mul3A_694 = arith.mulf %get3A_691, %mul3A_693 : vector<16xf32>
    %swap3A_695 = arith.constant 0 : i32
    %swap3A_696 = arith.index_cast %swap3A_695 : i32 to index
    %swap3A_697 = arith.constant 784 : index
    %swap3A_698 = tpu.vector_load %arg6[%swap3A_696, %swap3A_697] {strides = array<i32>} : memref<1x1024xf32, #tpu.memory_space<vmem>>, vector<1x16xf32>,
    %swap3A_699 = vector.shape_cast %swap3A_698 : vector<1x16xf32> to vector<16xf32>
    %swap3A_700 = vector.shape_cast %mul3A_694 : vector<16xf32> to vector<1x16xf32>
    tpu.vector_store %arg6[%swap3A_696, %swap3A_697], %swap3A_700 {strides = array<i32>} : memref<1x1024xf32, #tpu.memory_space<vmem>>, vector<1x16xf32>,
    %get3A_701 = arith.constant 0 : i32
    %get3A_702 = arith.index_cast %get3A_701 : i32 to index
    %get3A_703 = arith.constant 800 : index
    %get3A_704 = tpu.vector_load %arg6[%get3A_702, %get3A_703] {strides = array<i32>} : memref<1x1024xf32, #tpu.memory_space<vmem>>, vector<1x16xf32>,
    %get3A_705 = vector.shape_cast %get3A_704 : vector<1x16xf32> to vector<16xf32>
    %mul3A_706 = arith.constant 3.125000e-02 : f32
    %mul3A_707 = vector.broadcast %mul3A_706 : f32 to vector<16xf32>
    %mul3A_708 = arith.mulf %get3A_705, %mul3A_707 : vector<16xf32>
    %swap3A_709 = arith.constant 0 : i32
    %swap3A_710 = arith.index_cast %swap3A_709 : i32 to index
    %swap3A_711 = arith.constant 800 : index
    %swap3A_712 = tpu.vector_load %arg6[%swap3A_710, %swap3A_711] {strides = array<i32>} : memref<1x1024xf32, #tpu.memory_space<vmem>>, vector<1x16xf32>,
    %swap3A_713 = vector.shape_cast %swap3A_712 : vector<1x16xf32> to vector<16xf32>
    %swap3A_714 = vector.shape_cast %mul3A_708 : vector<16xf32> to vector<1x16xf32>
    tpu.vector_store %arg6[%swap3A_710, %swap3A_711], %swap3A_714 {strides = array<i32>} : memref<1x1024xf32, #tpu.memory_space<vmem>>, vector<1x16xf32>,
    %get3A_715 = arith.constant 0 : i32
    %get3A_716 = arith.index_cast %get3A_715 : i32 to index
    %get3A_717 = arith.constant 816 : index
    %get3A_718 = tpu.vector_load %arg6[%get3A_716, %get3A_717] {strides = array<i32>} : memref<1x1024xf32, #tpu.memory_space<vmem>>, vector<1x16xf32>,
    %get3A_719 = vector.shape_cast %get3A_718 : vector<1x16xf32> to vector<16xf32>
    %mul3A_720 = arith.constant 3.125000e-02 : f32
    %mul3A_721 = vector.broadcast %mul3A_720 : f32 to vector<16xf32>
    %mul3A_722 = arith.mulf %get3A_719, %mul3A_721 : vector<16xf32>
    %swap3A_723 = arith.constant 0 : i32
    %swap3A_724 = arith.index_cast %swap3A_723 : i32 to index
    %swap3A_725 = arith.constant 816 : index
    %swap3A_726 = tpu.vector_load %arg6[%swap3A_724, %swap3A_725] {strides = array<i32>} : memref<1x1024xf32, #tpu.memory_space<vmem>>, vector<1x16xf32>,
    %swap3A_727 = vector.shape_cast %swap3A_726 : vector<1x16xf32> to vector<16xf32>
    %swap3A_728 = vector.shape_cast %mul3A_722 : vector<16xf32> to vector<1x16xf32>
    tpu.vector_store %arg6[%swap3A_724, %swap3A_725], %swap3A_728 {strides = array<i32>} : memref<1x1024xf32, #tpu.memory_space<vmem>>, vector<1x16xf32>,
    %get3A_729 = arith.constant 0 : i32
    %get3A_730 = arith.index_cast %get3A_729 : i32 to index
    %get3A_731 = arith.constant 832 : index
    %get3A_732 = tpu.vector_load %arg6[%get3A_730, %get3A_731] {strides = array<i32>} : memref<1x1024xf32, #tpu.memory_space<vmem>>, vector<1x16xf32>,
    %get3A_733 = vector.shape_cast %get3A_732 : vector<1x16xf32> to vector<16xf32>
    %mul3A_734 = arith.constant 3.125000e-02 : f32
    %mul3A_735 = vector.broadcast %mul3A_734 : f32 to vector<16xf32>
    %mul3A_736 = arith.mulf %get3A_733, %mul3A_735 : vector<16xf32>
    %swap3A_737 = arith.constant 0 : i32
    %swap3A_738 = arith.index_cast %swap3A_737 : i32 to index
    %swap3A_739 = arith.constant 832 : index
    %swap3A_740 = tpu.vector_load %arg6[%swap3A_738, %swap3A_739] {strides = array<i32>} : memref<1x1024xf32, #tpu.memory_space<vmem>>, vector<1x16xf32>,
    %swap3A_741 = vector.shape_cast %swap3A_740 : vector<1x16xf32> to vector<16xf32>
    %swap3A_742 = vector.shape_cast %mul3A_736 : vector<16xf32> to vector<1x16xf32>
    tpu.vector_store %arg6[%swap3A_738, %swap3A_739], %swap3A_742 {strides = array<i32>} : memref<1x1024xf32, #tpu.memory_space<vmem>>, vector<1x16xf32>,
    %get3A_743 = arith.constant 0 : i32
    %get3A_744 = arith.index_cast %get3A_743 : i32 to index
    %get3A_745 = arith.constant 848 : index
    %get3A_746 = tpu.vector_load %arg6[%get3A_744, %get3A_745] {strides = array<i32>} : memref<1x1024xf32, #tpu.memory_space<vmem>>, vector<1x16xf32>,
    %get3A_747 = vector.shape_cast %get3A_746 : vector<1x16xf32> to vector<16xf32>
    %mul3A_748 = arith.constant 3.125000e-02 : f32
    %mul3A_749 = vector.broadcast %mul3A_748 : f32 to vector<16xf32>
    %mul3A_750 = arith.mulf %get3A_747, %mul3A_749 : vector<16xf32>
    %swap3A_751 = arith.constant 0 : i32
    %swap3A_752 = arith.index_cast %swap3A_751 : i32 to index
    %swap3A_753 = arith.constant 848 : index
    %swap3A_754 = tpu.vector_load %arg6[%swap3A_752, %swap3A_753] {strides = array<i32>} : memref<1x1024xf32, #tpu.memory_space<vmem>>, vector<1x16xf32>,
    %swap3A_755 = vector.shape_cast %swap3A_754 : vector<1x16xf32> to vector<16xf32>
    %swap3A_756 = vector.shape_cast %mul3A_750 : vector<16xf32> to vector<1x16xf32>
    tpu.vector_store %arg6[%swap3A_752, %swap3A_753], %swap3A_756 {strides = array<i32>} : memref<1x1024xf32, #tpu.memory_space<vmem>>, vector<1x16xf32>,
    %get3A_757 = arith.constant 0 : i32
    %get3A_758 = arith.index_cast %get3A_757 : i32 to index
    %get3A_759 = arith.constant 864 : index
    %get3A_760 = tpu.vector_load %arg6[%get3A_758, %get3A_759] {strides = array<i32>} : memref<1x1024xf32, #tpu.memory_space<vmem>>, vector<1x16xf32>,
    %get3A_761 = vector.shape_cast %get3A_760 : vector<1x16xf32> to vector<16xf32>
    %mul3A_762 = arith.constant 3.125000e-02 : f32
    %mul3A_763 = vector.broadcast %mul3A_762 : f32 to vector<16xf32>
    %mul3A_764 = arith.mulf %get3A_761, %mul3A_763 : vector<16xf32>
    %swap3A_765 = arith.constant 0 : i32
    %swap3A_766 = arith.index_cast %swap3A_765 : i32 to index
    %swap3A_767 = arith.constant 864 : index
    %swap3A_768 = tpu.vector_load %arg6[%swap3A_766, %swap3A_767] {strides = array<i32>} : memref<1x1024xf32, #tpu.memory_space<vmem>>, vector<1x16xf32>,
    %swap3A_769 = vector.shape_cast %swap3A_768 : vector<1x16xf32> to vector<16xf32>
    %swap3A_770 = vector.shape_cast %mul3A_764 : vector<16xf32> to vector<1x16xf32>
    tpu.vector_store %arg6[%swap3A_766, %swap3A_767], %swap3A_770 {strides = array<i32>} : memref<1x1024xf32, #tpu.memory_space<vmem>>, vector<1x16xf32>,
    %get3A_771 = arith.constant 0 : i32
    %get3A_772 = arith.index_cast %get3A_771 : i32 to index
    %get3A_773 = arith.constant 880 : index
    %get3A_774 = tpu.vector_load %arg6[%get3A_772, %get3A_773] {strides = array<i32>} : memref<1x1024xf32, #tpu.memory_space<vmem>>, vector<1x16xf32>,
    %get3A_775 = vector.shape_cast %get3A_774 : vector<1x16xf32> to vector<16xf32>
    %mul3A_776 = arith.constant 3.125000e-02 : f32
    %mul3A_777 = vector.broadcast %mul3A_776 : f32 to vector<16xf32>
    %mul3A_778 = arith.mulf %get3A_775, %mul3A_777 : vector<16xf32>
    %swap3A_779 = arith.constant 0 : i32
    %swap3A_780 = arith.index_cast %swap3A_779 : i32 to index
    %swap3A_781 = arith.constant 880 : index
    %swap3A_782 = tpu.vector_load %arg6[%swap3A_780, %swap3A_781] {strides = array<i32>} : memref<1x1024xf32, #tpu.memory_space<vmem>>, vector<1x16xf32>,
    %swap3A_783 = vector.shape_cast %swap3A_782 : vector<1x16xf32> to vector<16xf32>
    %swap3A_784 = vector.shape_cast %mul3A_778 : vector<16xf32> to vector<1x16xf32>
    tpu.vector_store %arg6[%swap3A_780, %swap3A_781], %swap3A_784 {strides = array<i32>} : memref<1x1024xf32, #tpu.memory_space<vmem>>, vector<1x16xf32>,
    %get3A_785 = arith.constant 0 : i32
    %get3A_786 = arith.index_cast %get3A_785 : i32 to index
    %get3A_787 = arith.constant 896 : index
    %get3A_788 = tpu.vector_load %arg6[%get3A_786, %get3A_787] {strides = array<i32>} : memref<1x1024xf32, #tpu.memory_space<vmem>>, vector<1x16xf32>,
    %get3A_789 = vector.shape_cast %get3A_788 : vector<1x16xf32> to vector<16xf32>
    %mul3A_790 = arith.constant 3.125000e-02 : f32
    %mul3A_791 = vector.broadcast %mul3A_790 : f32 to vector<16xf32>
    %mul3A_792 = arith.mulf %get3A_789, %mul3A_791 : vector<16xf32>
    %swap3A_793 = arith.constant 0 : i32
    %swap3A_794 = arith.index_cast %swap3A_793 : i32 to index
    %swap3A_795 = arith.constant 896 : index
    %swap3A_796 = tpu.vector_load %arg6[%swap3A_794, %swap3A_795] {strides = array<i32>} : memref<1x1024xf32, #tpu.memory_space<vmem>>, vector<1x16xf32>,
    %swap3A_797 = vector.shape_cast %swap3A_796 : vector<1x16xf32> to vector<16xf32>
    %swap3A_798 = vector.shape_cast %mul3A_792 : vector<16xf32> to vector<1x16xf32>
    tpu.vector_store %arg6[%swap3A_794, %swap3A_795], %swap3A_798 {strides = array<i32>} : memref<1x1024xf32, #tpu.memory_space<vmem>>, vector<1x16xf32>,
    %get3A_799 = arith.constant 0 : i32
    %get3A_800 = arith.index_cast %get3A_799 : i32 to index
    %get3A_801 = arith.constant 912 : index
    %get3A_802 = tpu.vector_load %arg6[%get3A_800, %get3A_801] {strides = array<i32>} : memref<1x1024xf32, #tpu.memory_space<vmem>>, vector<1x16xf32>,
    %get3A_803 = vector.shape_cast %get3A_802 : vector<1x16xf32> to vector<16xf32>
    %mul3A_804 = arith.constant 3.125000e-02 : f32
    %mul3A_805 = vector.broadcast %mul3A_804 : f32 to vector<16xf32>
    %mul3A_806 = arith.mulf %get3A_803, %mul3A_805 : vector<16xf32>
    %swap3A_807 = arith.constant 0 : i32
    %swap3A_808 = arith.index_cast %swap3A_807 : i32 to index
    %swap3A_809 = arith.constant 912 : index
    %swap3A_810 = tpu.vector_load %arg6[%swap3A_808, %swap3A_809] {strides = array<i32>} : memref<1x1024xf32, #tpu.memory_space<vmem>>, vector<1x16xf32>,
    %swap3A_811 = vector.shape_cast %swap3A_810 : vector<1x16xf32> to vector<16xf32>
    %swap3A_812 = vector.shape_cast %mul3A_806 : vector<16xf32> to vector<1x16xf32>
    tpu.vector_store %arg6[%swap3A_808, %swap3A_809], %swap3A_812 {strides = array<i32>} : memref<1x1024xf32, #tpu.memory_space<vmem>>, vector<1x16xf32>,
    %get3A_813 = arith.constant 0 : i32
    %get3A_814 = arith.index_cast %get3A_813 : i32 to index
    %get3A_815 = arith.constant 928 : index
    %get3A_816 = tpu.vector_load %arg6[%get3A_814, %get3A_815] {strides = array<i32>} : memref<1x1024xf32, #tpu.memory_space<vmem>>, vector<1x16xf32>,
    %get3A_817 = vector.shape_cast %get3A_816 : vector<1x16xf32> to vector<16xf32>
    %mul3A_818 = arith.constant 3.125000e-02 : f32
    %mul3A_819 = vector.broadcast %mul3A_818 : f32 to vector<16xf32>
    %mul3A_820 = arith.mulf %get3A_817, %mul3A_819 : vector<16xf32>
    %swap3A_821 = arith.constant 0 : i32
    %swap3A_822 = arith.index_cast %swap3A_821 : i32 to index
    %swap3A_823 = arith.constant 928 : index
    %swap3A_824 = tpu.vector_load %arg6[%swap3A_822, %swap3A_823] {strides = array<i32>} : memref<1x1024xf32, #tpu.memory_space<vmem>>, vector<1x16xf32>,
    %swap3A_825 = vector.shape_cast %swap3A_824 : vector<1x16xf32> to vector<16xf32>
    %swap3A_826 = vector.shape_cast %mul3A_820 : vector<16xf32> to vector<1x16xf32>
    tpu.vector_store %arg6[%swap3A_822, %swap3A_823], %swap3A_826 {strides = array<i32>} : memref<1x1024xf32, #tpu.memory_space<vmem>>, vector<1x16xf32>,
    %get3A_827 = arith.constant 0 : i32
    %get3A_828 = arith.index_cast %get3A_827 : i32 to index
    %get3A_829 = arith.constant 944 : index
    %get3A_830 = tpu.vector_load %arg6[%get3A_828, %get3A_829] {strides = array<i32>} : memref<1x1024xf32, #tpu.memory_space<vmem>>, vector<1x16xf32>,
    %get3A_831 = vector.shape_cast %get3A_830 : vector<1x16xf32> to vector<16xf32>
    %mul3A_832 = arith.constant 3.125000e-02 : f32
    %mul3A_833 = vector.broadcast %mul3A_832 : f32 to vector<16xf32>
    %mul3A_834 = arith.mulf %get3A_831, %mul3A_833 : vector<16xf32>
    %swap3A_835 = arith.constant 0 : i32
    %swap3A_836 = arith.index_cast %swap3A_835 : i32 to index
    %swap3A_837 = arith.constant 944 : index
    %swap3A_838 = tpu.vector_load %arg6[%swap3A_836, %swap3A_837] {strides = array<i32>} : memref<1x1024xf32, #tpu.memory_space<vmem>>, vector<1x16xf32>,
    %swap3A_839 = vector.shape_cast %swap3A_838 : vector<1x16xf32> to vector<16xf32>
    %swap3A_840 = vector.shape_cast %mul3A_834 : vector<16xf32> to vector<1x16xf32>
    tpu.vector_store %arg6[%swap3A_836, %swap3A_837], %swap3A_840 {strides = array<i32>} : memref<1x1024xf32, #tpu.memory_space<vmem>>, vector<1x16xf32>,
    %get3A_841 = arith.constant 0 : i32
    %get3A_842 = arith.index_cast %get3A_841 : i32 to index
    %get3A_843 = arith.constant 960 : index
    %get3A_844 = tpu.vector_load %arg6[%get3A_842, %get3A_843] {strides = array<i32>} : memref<1x1024xf32, #tpu.memory_space<vmem>>, vector<1x16xf32>,
    %get3A_845 = vector.shape_cast %get3A_844 : vector<1x16xf32> to vector<16xf32>
    %mul3A_846 = arith.constant 3.125000e-02 : f32
    %mul3A_847 = vector.broadcast %mul3A_846 : f32 to vector<16xf32>
    %mul3A_848 = arith.mulf %get3A_845, %mul3A_847 : vector<16xf32>
    %swap3A_849 = arith.constant 0 : i32
    %swap3A_850 = arith.index_cast %swap3A_849 : i32 to index
    %swap3A_851 = arith.constant 960 : index
    %swap3A_852 = tpu.vector_load %arg6[%swap3A_850, %swap3A_851] {strides = array<i32>} : memref<1x1024xf32, #tpu.memory_space<vmem>>, vector<1x16xf32>,
    %swap3A_853 = vector.shape_cast %swap3A_852 : vector<1x16xf32> to vector<16xf32>
    %swap3A_854 = vector.shape_cast %mul3A_848 : vector<16xf32> to vector<1x16xf32>
    tpu.vector_store %arg6[%swap3A_850, %swap3A_851], %swap3A_854 {strides = array<i32>} : memref<1x1024xf32, #tpu.memory_space<vmem>>, vector<1x16xf32>,
    %get3A_855 = arith.constant 0 : i32
    %get3A_856 = arith.index_cast %get3A_855 : i32 to index
    %get3A_857 = arith.constant 976 : index
    %get3A_858 = tpu.vector_load %arg6[%get3A_856, %get3A_857] {strides = array<i32>} : memref<1x1024xf32, #tpu.memory_space<vmem>>, vector<1x16xf32>,
    %get3A_859 = vector.shape_cast %get3A_858 : vector<1x16xf32> to vector<16xf32>
    %mul3A_860 = arith.constant 3.125000e-02 : f32
    %mul3A_861 = vector.broadcast %mul3A_860 : f32 to vector<16xf32>
    %mul3A_862 = arith.mulf %get3A_859, %mul3A_861 : vector<16xf32>
    %swap3A_863 = arith.constant 0 : i32
    %swap3A_864 = arith.index_cast %swap3A_863 : i32 to index
    %swap3A_865 = arith.constant 976 : index
    %swap3A_866 = tpu.vector_load %arg6[%swap3A_864, %swap3A_865] {strides = array<i32>} : memref<1x1024xf32, #tpu.memory_space<vmem>>, vector<1x16xf32>,
    %swap3A_867 = vector.shape_cast %swap3A_866 : vector<1x16xf32> to vector<16xf32>
    %swap3A_868 = vector.shape_cast %mul3A_862 : vector<16xf32> to vector<1x16xf32>
    tpu.vector_store %arg6[%swap3A_864, %swap3A_865], %swap3A_868 {strides = array<i32>} : memref<1x1024xf32, #tpu.memory_space<vmem>>, vector<1x16xf32>,
    %get3A_869 = arith.constant 0 : i32
    %get3A_870 = arith.index_cast %get3A_869 : i32 to index
    %get3A_871 = arith.constant 992 : index
    %get3A_872 = tpu.vector_load %arg6[%get3A_870, %get3A_871] {strides = array<i32>} : memref<1x1024xf32, #tpu.memory_space<vmem>>, vector<1x16xf32>,
    %get3A_873 = vector.shape_cast %get3A_872 : vector<1x16xf32> to vector<16xf32>
    %mul3A_874 = arith.constant 3.125000e-02 : f32
    %mul3A_875 = vector.broadcast %mul3A_874 : f32 to vector<16xf32>
    %mul3A_876 = arith.mulf %get3A_873, %mul3A_875 : vector<16xf32>
    %swap3A_877 = arith.constant 0 : i32
    %swap3A_878 = arith.index_cast %swap3A_877 : i32 to index
    %swap3A_879 = arith.constant 992 : index
    %swap3A_880 = tpu.vector_load %arg6[%swap3A_878, %swap3A_879] {strides = array<i32>} : memref<1x1024xf32, #tpu.memory_space<vmem>>, vector<1x16xf32>,
    %swap3A_881 = vector.shape_cast %swap3A_880 : vector<1x16xf32> to vector<16xf32>
    %swap3A_882 = vector.shape_cast %mul3A_876 : vector<16xf32> to vector<1x16xf32>
    tpu.vector_store %arg6[%swap3A_878, %swap3A_879], %swap3A_882 {strides = array<i32>} : memref<1x1024xf32, #tpu.memory_space<vmem>>, vector<1x16xf32>,
    %get3A_883 = arith.constant 0 : i32
    %get3A_884 = arith.index_cast %get3A_883 : i32 to index
    %get3A_885 = arith.constant 1008 : index
    %get3A_886 = tpu.vector_load %arg6[%get3A_884, %get3A_885] {strides = array<i32>} : memref<1x1024xf32, #tpu.memory_space<vmem>>, vector<1x16xf32>,
    %get3A_887 = vector.shape_cast %get3A_886 : vector<1x16xf32> to vector<16xf32>
    %mul3A_888 = arith.constant 3.125000e-02 : f32
    %mul3A_889 = vector.broadcast %mul3A_888 : f32 to vector<16xf32>
    %mul3A_890 = arith.mulf %get3A_887, %mul3A_889 : vector<16xf32>
    %swap3A_891 = arith.constant 0 : i32
    %swap3A_892 = arith.index_cast %swap3A_891 : i32 to index
    %swap3A_893 = arith.constant 1008 : index
    %swap3A_894 = tpu.vector_load %arg6[%swap3A_892, %swap3A_893] {strides = array<i32>} : memref<1x1024xf32, #tpu.memory_space<vmem>>, vector<1x16xf32>,
    %swap3A_895 = vector.shape_cast %swap3A_894 : vector<1x16xf32> to vector<16xf32>
    %swap3A_896 = vector.shape_cast %mul3A_890 : vector<16xf32> to vector<1x16xf32>
    tpu.vector_store %arg6[%swap3A_892, %swap3A_893], %swap3A_896 {strides = array<i32>} : memref<1x1024xf32, #tpu.memory_space<vmem>>, vector<1x16xf32>,
    "tpu.region"() ({
      %run_scoped3A = tpu.sem_alloc : memref<!tpu.dma_semaphore, #tpu.memory_space<semaphore_mem>>
      tpu.enqueue_dma source(%arg6 : memref<1x1024xf32, #tpu.memory_space<vmem>>) target(%arg4 : memref<1x1024xf32, #tpu.memory_space<hbm>>) target_semaphore(%run_scoped3A : memref<!tpu.dma_semaphore, #tpu.memory_space<semaphore_mem>>)
      tpu.wait_dma2 semaphore(%run_scoped3A : memref<!tpu.dma_semaphore, #tpu.memory_space<semaphore_mem>>) src(%arg6 : memref<1x1024xf32, #tpu.memory_space<vmem>>) dst(%arg4 : memref<1x1024xf32, #tpu.memory_space<hbm>>)
      tpu.yield
    }) : () -> ()
    return
  }
}

</mosaic_0001>

<sc_bundles>
// kernel: kernel.3.cloned.1.call-start
scs
__scs_entry_jumppad:
0x0: {  	(pc) =	sbr.rel $0x88, $3  }
0x1: {  	(tag) =	ssettag $0x0;
	lr =	simm.s32 $0x1  }
0x2: {  	[smem:$0x3F9F] =	sst lr;
	_ =	strace $0xD0000000  }
0x3: {  	_ = 	snop  }
0x4: {  	_ = 	snop  }
0x5: {  	_ = 	snop  }
0x6: {  	_ = 	snop  }
0x7: {  	_ = 	snop  }
__scs_overlays_trampoline_lowered:
0x8: {  	[smem:$0x3FAE] =	sst s0  }
0x9: {  	[smem:$0x3FAF] =	sst s1  }
0xa: {  	[smem:$0x3FB0] =	sst s2  }
0xb: {  	[smem:$0x3FB1] =	sst s3  }
0xc: {  	[smem:$0x3FB2] =	sst s4  }
0xd: {  	[smem:$0x3FB3] =	sst s5  }
0xe: {  	[smem:$0x3FB4] =	sst s6  }
0xf: {  	[smem:$0x3FB5] =	sst s7  }
0x10: {  	[smem:$0x3FB6] =	sst s8  }
0x11: {  	[smem:$0x3FB7] =	sst s9;
	s0 =	simm.s32 @!p0 $0x0  }
0x12: {  	s1 =	sld [smem:$0x3F9D];
	s0 =	simm.s32 @p0 $0x1  }
0x13: {  	[smem:$0x3FB8] =	sst s0;
	s0 =	simm.s32 @!p1 $0x0  }
0x14: {  	s2 =	sld [smem:$0x3F9C];
	s0 =	simm.s32 @p1 $0x1  }
0x15: {  	[smem:$0x3FB9] =	sst s0;
	s0 =	simm.s32 @!p2 $0x0  }
0x16: {  	s3 =	sld [smem:$0x3FDB];
	s0 =	simm.s32 @p2 $0x1  }
0x17: {  	s4 =	simm.s32 $0x1BF5;
	[smem:$0x3FBB] =	sst s0  }
0x18: {  	s0 =	sld [smem:$0x3F9E];
	_ =	swait.ge [sflag:s4], $0x0  }
0x19: {  	s7 =	sld [smem:$0x3F9F]  }
0x1a: {  	s8 =	sadd.s32 $0xFFFFE003, lr  }
0x1b: {  	s9 =	sadd.s32 $0xFFFFFEF7, lr;
	s5 =	simm.s32 $0xFFFFFFFF;
	p2 =	slt.u32 s8, $0xFFFFF086  }
0x1c: {  	p1 =	slt.u32 s9, $0xF7A;
	s5 =	simm.s32 @!p2 $0x0  }
0x1d: {  	s5 =	simm.s32 @p1 $0x1;
	p0 =	seq.s32 s7, s2  }
0x1e: {  	s7 =	smul.u32 @!p0 $0xF7A, s2;
	p2 =	seq.s32 @!p0 s5, $0x0  }
0x1f: {  	s9 =	smul.u32 $0xF7A, s1;
	s8 =	simm.s32 @!p0 $0x1BF5;
	p2 =	por !p2, p0  }
0x20: {  	[sflag:s8] =	ssyncset.s32 @!p0 $0xFFFFF086;
	s6 =	sadd.s32 @!p0 s3, s7;
	s7 =	simm.s32 @!p0 $0x108  }
0x21: {  	s3 =	sadd.s32 s3, s9;
	s6 =	sadd.s32 @!p0 $0x88, s6;
	s7 =	simm.s32 @p2 $0x1082  }
0x22: {  	[simem:s7], [sflag:s8] =	dma.local @!p0 [hbm:s6], $0xF7A  }
0x23: {  	s9 =	sor.u32 $0xD0000000, s2;
	s6 =	simm.s32 $0x108;
	_ =	swait.ge @!p0 [sflag:s8], $0x0  }
0x24: {  	s3 =	sadd.s32 $0x88, s3;
	s6 =	simm.s32 @!p1 $0x1082;
	[sflag:s4] =	ssyncset.s32 $0xFFFFF086  }
0x25: {  	[simem:s6], [sflag:s4] =	dma.local [hbm:s3], $0xF7A  }
0x26: {  	[smem:$0x3F9F] =	sst s1;
	(tag) =	ssettag s2;
	_ =	strace s9  }
0x27: {  	s1 =	sld [smem:$0x3FAF]  }
0x28: {  	s2 =	sld [smem:$0x3FB0]  }
0x29: {  	s4 =	sld [smem:$0x3FB2]  }
0x2a: {  	p0 =	seq.s32 s5, $0x0;
	s5 =	sld [smem:$0x3FB3]  }
0x2b: {  	s6 =	sld [smem:$0x3FB4]  }
0x2c: {  	s7 =	sld [smem:$0x3FB5]  }
0x2d: {  	s3 =	simm.s32 $0x108;
	s8 =	sld [smem:$0x3FB6]  }
0x2e: {  	s3 =	simm.s32 @!p0 $0x1082;
	s9 =	sld [smem:$0x3FB7]  }
0x2f: {  	lr =	sadd.s32 s0, s3;
	s0 =	sld [smem:$0x3FAE]  }
0x30: {  	s3 =	sld [smem:$0x3FB1]  }
0x31: {  	[smem:$0x3FBA] =	sst s10  }
0x32: {  	s10 =	sld [smem:$0x3FB8];
	_ =	sdelay $0x3  }
0x33: {  	p0 =	seq.s32 s10, $0x1;
	s10 =	sld [smem:$0x3FBA];
	_ =	sdelay $0x3  }
0x34: {  	[smem:$0x3FBA] =	sst s10  }
0x35: {  	s10 =	sld [smem:$0x3FB9];
	_ =	sdelay $0x3  }
0x36: {  	p1 =	seq.s32 s10, $0x1;
	s10 =	sld [smem:$0x3FBA];
	_ =	sdelay $0x3  }
0x37: {  	[smem:$0x3FBA] =	sst s10  }
0x38: {  	s10 =	sld [smem:$0x3FBB]  }
0x39: {  	_ = 	snop;
	(pc) =	sbr.ind lr, $3  }
0x3a: {  	_ = 	snop  }
0x3b: {  	_ = 	snop  }
0x3c: {  	p2 =	seq.s32 s10, $0x1;
	s10 =	sld [smem:$0x3FBA]  }
0x3d: {  	_ =	shalt  }
0x3e: {  	_ =	shalt  }
0x3f: {  	_ =	shalt  }
0x40: {  	_ =	shalt  }
0x41: {  	_ =	shalt  }
0x42: {  	_ =	shalt  }
0x43: {  	_ =	shalt  }
0x44: {  	_ =	shalt  }
0x45: {  	_ =	shalt  }
0x46: {  	_ =	shalt  }
0x47: {  	_ =	shalt  }
0x48: {  	_ =	shalt  }
0x49: {  	_ =	shalt  }
0x4a: {  	_ =	shalt  }
0x4b: {  	_ =	shalt  }
0x4c: {  	_ =	shalt  }
0x4d: {  	_ =	shalt  }
0x4e: {  	_ =	shalt  }
0x4f: {  	_ =	shalt  }
0x50: {  	_ =	shalt  }
0x51: {  	_ =	shalt  }
0x52: {  	_ =	shalt  }
0x53: {  	_ =	shalt  }
0x54: {  	_ =	shalt  }
0x55: {  	_ =	shalt  }
0x56: {  	_ =	shalt  }
0x57: {  	_ =	shalt  }
0x58: {  	_ =	shalt  }
0x59: {  	_ =	shalt  }
0x5a: {  	_ =	shalt  }
0x5b: {  	_ =	shalt  }
0x5c: {  	_ =	shalt  }
0x5d: {  	_ =	shalt  }
0x5e: {  	_ =	shalt  }
0x5f: {  	_ =	shalt  }
0x60: {  	_ =	shalt  }
0x61: {  	_ =	shalt  }
0x62: {  	_ =	shalt  }
0x63: {  	_ =	shalt  }
0x64: {  	_ =	shalt  }
0x65: {  	_ =	shalt  }
0x66: {  	_ =	shalt  }
0x67: {  	_ =	shalt  }
0x68: {  	_ =	shalt  }
0x69: {  	_ =	shalt  }
0x6a: {  	_ =	shalt  }
0x6b: {  	_ =	shalt  }
0x6c: {  	_ =	shalt  }
0x6d: {  	_ =	shalt  }
0x6e: {  	_ =	shalt  }
0x6f: {  	_ =	shalt  }
0x70: {  	_ =	shalt  }
0x71: {  	_ =	shalt  }
0x72: {  	_ =	shalt  }
0x73: {  	_ =	shalt  }
0x74: {  	_ =	shalt  }
0x75: {  	_ =	shalt  }
0x76: {  	_ =	shalt  }
0x77: {  	_ =	shalt  }
0x78: {  	_ =	shalt  }
0x79: {  	_ =	shalt  }
0x7a: {  	_ =	shalt  }
0x7b: {  	_ =	shalt  }
0x7c: {  	_ =	shalt  }
0x7d: {  	_ =	shalt  }
0x7e: {  	_ =	shalt  }
0x7f: {  	_ =	shalt  }
0x80: {  	_ =	shalt  }
0x81: {  	_ =	shalt  }
0x82: {  	_ =	shalt  }
0x83: {  	_ =	shalt  }
0x84: {  	_ =	shalt  }
0x85: {  	_ =	shalt  }
0x86: {  	_ =	shalt  }
0x87: {  	_ =	shalt  }
.Lfunc_end0:
.L_simem_size_0:
called_computation_lowered:
.L_overlay_start_0:
0x88: {  	s0 =	sld [smem:$0x3FD9]  }
0x89: {  	s1 =	sld [smem:$0x3FFE];
	_ =	sdelay $0x3  }
0x8a: {  	s0 =	sadd.s32 s1, s0  }
0x8b: {  	[smem:$0x3FC6] =	sst s0  }
0x8c: {  	_ = 	snop  }
0x8d: {  	s0 =	sld [smem:$0x3FC9]  }
0x8e: {  	s17 =	sld [smem:$0x3FC8]  }
0x8f: {  	s2 =	sld [smem:$0x3FD0];
	(tm) =	ssettm $0x1  }
0x90: {  	s3 =	sld [smem:$0x3FFB];
	_ =	sdelay $0x3  }
0x91: {  	_ =	strace s3  }
0x92: {  	s3 =	sld [smem:$0x3FFC];
	_ =	sdelay $0x3  }
0x93: {  	_ =	strace s3  }
0x94: {  	s3 =	sld [smem:$0x3FFD];
	_ =	sdelay $0x3  }
0x95: {  	_ =	strace s3  }
0x96: {  	_ =	strace $0x8FFFFFFF  }
0x97: {  	s18 =	sld [smem:$0x3FDB];
	_ =	sdelay $0x1  }
0x98: {  	s4 =	simm.s32 $_scs_section_size  }
0x99: {  	s5 =	simm.s32 $_size__tile_overlayer_lowered;
	s6 =	simm.s32 $_tile_overlayer_lowered  }
0x9a: {  	s21 =	simm.s32 $0x1BFF;
	s20 =	sshll.u32 s6, $0x1;
	s3 =	sadd.s32 s4, s18  }
0x9b: {  	s7 =	simm.s32 $0x0;
	s19 =	sshll.u32 s5, $0x1;
	s5 =	sadd.s32 s20, s3  }
0x9c: {  	[timem:s7], [sflag:s21] =	dma.local [hbm:s5], s19  }
0x9d: {  	_ =	swait.ge [sflag:s21], s19  }
0x9e: {  	s4 =	ssub.s32 $0x0, s19;
	[sflag:s21] =	ssyncset.done $0x0  }
0x9f: {  	[sflag:s21] =	ssyncadd.s32 s4;
	_ =	sdelay $0x1  }
0xa0: {  	s22 =	simm.s32 $0x1B8B  }
0xa1: {  	_ =	swait.ge [sflag:s22], $0x1  }
0xa2: {  	[sflag:s22] =	ssyncset.done $0x0  }
0xa3: {  	s23 =	simm.s32 $0x1B8E;
	[sflag:s22] =	ssyncadd.s32 $0xFFFFFFFF  }
0xa4: {  	s24 =	simm.s32 $execute0_lowered;
	[smem:$0x3FD2] =	sst s23  }
0xa5: {  	s4 =	sshll.u32 s24, $0x1;
	_ =	strace $0x80000046;
	[dreg:$0x1] =	wrdreg $0xFFFFFFFF  }
0xa6: {  	s25 =	simm.s32 $_size_execute0_lowered;
	s3 =	sadd.s32 s3, s4;
	[dreg:$0x0] =	wrdreg $0x0  }
0xa7: {  	s4 =	sshll.u32 s25, $0x1;
	[dreg:$0x2] =	wrdreg s3  }
0xa8: {  	[dreg:$0x3] =	wrdreg s4  }
0xa9: {  	[dreg:$0x4] =	wrdreg $0xC0  }
0xaa: {  	_ =	task [dreg:s7], $0x5FFFF  }
0xab: {  	[dreg:$0x1] =	wrdreg $0xFFFFFFFF  }
0xac: {  	[dreg:$0x0] =	wrdreg $0x60  }
0xad: {  	[dreg:$0x2] =	wrdreg s0  }
0xae: {  	[dreg:$0x3] =	wrdreg s17  }
0xaf: {  	[dreg:$0x4] =	wrdreg s2  }
0xb0: {  	[dreg:$0x5] =	wrdreg $0x9  }
0xb1: {  	_ =	task.clear_ibuf [dreg:s7], $0x6FFFF;
	_ =	strace $0x90000046  }
0xb2: {  	s26 =	simm.s32 $0x9;
	_ =	strace $0x80000048  }
0xb3: {  	_ =	swait.ge [sflag:s26], $0x1  }
0xb4: {  	[sflag:s26] =	ssyncadd.s32 $0xFFFFFFFF  }
0xb5: {  	_ =	strace $0x90000048  }
0xb6: {  	_ =	sfence  }
0xb7: {  	s28 =	sld [smem:$0x0];
	_ =	sdelay $0x1  }
0xb8: {  	s29 =	srdreg.scid  }
0xb9: {  	s30 =	sshll.u32 s29, $0xD;
	s31 =	sshrl.u32 s29, $0x2  }
0xba: {  	s1 =	sand.u32 $0x1, s29;
	s2 =	sand.u32 $0x4000, s30;
	s0 =	sadd.s32 s31, s28  }
0xbb: {  	s1 =	sor.u32 s2, s1;
	s0 =	sshll.u32 s0, $0x11  }
0xbc: {  	s0 =	sor.u32 s0, s1  }
0xbd: {  	s0 =	sadd.s32 $0x8F2B, s0  }
0xbe: {  	[sflag:s0] =	ssyncadd.remote.s32 $0x1  }
0xbf: {  	_ =	sfence.sel $0xFFFF  }
0xc0: {  	[dreg:$0x0] =	wrdreg $0xFFFFFFFF;
	(pc) =	sbr.abs _section_cstart, $3  }
0xc1: {  	[dreg:$0x1] =	wrdreg $0xFFFFFFFF  }
0xc2: {  	_ =	task.clear_ibuf [dreg:s7], $0x2FFFF;
	_ =	strace $0x9FFFFFFF  }
0xc3: {  	(tm) =	ssettm $0x7FFFFFFF  }
tec
execute0_lowered:
.L_overlay_start_1:
0x0: {  	(tag) =	ssettag $0x1  }
0x1: {  	s3 =	stileid.u32  }
0x2: {  	p0 =	sne.s32 s3, $0x0  }
.Ltmp0:
0x3: {  	_ = 	snop;
	(pc) =	sbr.rel @p0 .LBB2_2-.Ltmp0, $4  }
0x4: {  	s2 =	rddreg [dreg:$0x0]  }
0x5: {  	s5 =	rddreg [dreg:$0x1]  }
0x6: {  	s1 =	rddreg [dreg:$0x2]  }
0x7: {  	s0 =	rddreg [dreg:$0x3];
	_ =	strace $0x80000047  }
0x8: {  	s3 =	simm.s32 $0x0;
	s30 =	simm.s32 $0x2  }
0x9: {  	[tilespmem:s3], [sflag:$0x2] =	stream.linear.gather [hbm4b:s2+s3], $0x80, $0x38;
	[tilespmem:$0x480] =	vst v63  }
0xa: {  	_ =	swait.ge [sflag:s30], $0x80  }
0xb: {  	[sflag:s30] =	ssyncset.done $0x0  }
0xc: {  	[sflag:s30] =	ssyncadd.s32 $0xFFFFFF80  }
0xd: {  	v0 =	vld.msk [tilespmem:$0x0], $0x1;
	_ =	sdelay $0x4  }
0xe: {  	v1 =	vshll.u32 v0, $0x3  }
0xf: {  	v0 =	vand.u32 $0x7, v0;
	v1 =	vand.u32 $0xFFFFFFC0, v1  }
0x10: {  	v50 =	vimm.s32 $0x0;
	v2 =	vlaneseq.u32;
	v0 =	vor.u32 v0, v1  }
0x11: {  	v51 =	vmul.u32 $0x8, v2;
	v0 =	vperm.xlane v0, v50;
	_ =	sdelay $0x1  }
0x12: {  	v0 =	vadd.s32 v51, v0;
	_ =	sdelay $0x3  }
0x13: {  	vm0 =	vmmov $0xff;
	s4 =	simm.s32 $0x80;
	s31 =	simm.s32 $0x1  }
0x14: {  	[tilespmem:s4], [sflag:$0x1] =	stream.indirect_vreg.gather [hbm4b:s5+s3], $0x80, v0, vm0, $0xb8;
	[tilespmem:$0x480] =	vst v63  }
0x15: {  	_ =	swait.ge [sflag:s31], $0x400  }
0x16: {  	[sflag:s31] =	ssyncset.done $0x0  }
0x17: {  	[sflag:s31] =	ssyncadd.s32 $0xFFFFFC00  }
0x18: {  	v52 =	vld [tilespmem:$0x80]  }
0x19: {  	v53 =	vld [tilespmem:$0x90]  }
0x1a: {  	v54 =	vld [tilespmem:$0xA0]  }
0x1b: {  	v3 =	vld [tilespmem:$0xB0]  }
0x1c: {  	v4 =	vld [tilespmem:$0xC0]  }
0x1d: {  	v5 =	vld [tilespmem:$0xD0];
	v0 =	vmul.f32 $3.125000000e-02, v52  }
0x1e: {  	v6 =	vld [tilespmem:$0xE0];
	v1 =	vmul.f32 $3.125000000e-02, v53  }
0x1f: {  	v56 =	vld [tilespmem:$0xF0];
	v55 =	vmul.f32 $3.125000000e-02, v54;
	[tilespmem:$0x80] =	vst v0  }
0x20: {  	v58 =	vld [tilespmem:$0x100];
	v57 =	vmul.f32 $3.125000000e-02, v3;
	[tilespmem:$0x90] =	vst v1  }
0x21: {  	v60 =	vld [tilespmem:$0x110];
	v59 =	vmul.f32 $3.125000000e-02, v4;
	[tilespmem:$0xA0] =	vst v55  }
0x22: {  	v62 =	vld [tilespmem:$0x120];
	v61 =	vmul.f32 $3.125000000e-02, v5;
	[tilespmem:$0xB0] =	vst v57  }
0x23: {  	v9 =	vld [tilespmem:$0x130];
	v63 =	vmul.f32 $3.125000000e-02, v6;
	[tilespmem:$0xC0] =	vst v59  }
0x24: {  	v11 =	vld [tilespmem:$0x140];
	v10 =	vmul.f32 $3.125000000e-02, v56;
	[tilespmem:$0xD0] =	vst v61  }
0x25: {  	v13 =	vld [tilespmem:$0x150];
	v12 =	vmul.f32 $3.125000000e-02, v58;
	[tilespmem:$0xE0] =	vst v63  }
0x26: {  	v15 =	vld [tilespmem:$0x160];
	v14 =	vmul.f32 $3.125000000e-02, v60;
	[tilespmem:$0xF0] =	vst v10  }
0x27: {  	v17 =	vld [tilespmem:$0x170];
	v16 =	vmul.f32 $3.125000000e-02, v62;
	[tilespmem:$0x100] =	vst v12  }
0x28: {  	v19 =	vld [tilespmem:$0x180];
	v18 =	vmul.f32 $3.125000000e-02, v9;
	[tilespmem:$0x110] =	vst v14  }
0x29: {  	v21 =	vld [tilespmem:$0x190];
	v20 =	vmul.f32 $3.125000000e-02, v11;
	[tilespmem:$0x120] =	vst v16  }
0x2a: {  	v23 =	vld [tilespmem:$0x1A0];
	v22 =	vmul.f32 $3.125000000e-02, v13;
	[tilespmem:$0x130] =	vst v18  }
0x2b: {  	v25 =	vld [tilespmem:$0x1B0];
	v24 =	vmul.f32 $3.125000000e-02, v15;
	[tilespmem:$0x140] =	vst v20  }
0x2c: {  	v27 =	vld [tilespmem:$0x1C0];
	v26 =	vmul.f32 $3.125000000e-02, v17;
	[tilespmem:$0x150] =	vst v22  }
0x2d: {  	v29 =	vld [tilespmem:$0x1D0];
	v28 =	vmul.f32 $3.125000000e-02, v19;
	[tilespmem:$0x160] =	vst v24  }
0x2e: {  	v31 =	vld [tilespmem:$0x1E0];
	v30 =	vmul.f32 $3.125000000e-02, v21;
	[tilespmem:$0x170] =	vst v26  }
0x2f: {  	v33 =	vld [tilespmem:$0x1F0];
	v32 =	vmul.f32 $3.125000000e-02, v23;
	[tilespmem:$0x180] =	vst v28  }
0x30: {  	v35 =	vld [tilespmem:$0x200];
	v34 =	vmul.f32 $3.125000000e-02, v25;
	[tilespmem:$0x190] =	vst v30  }
0x31: {  	v37 =	vld [tilespmem:$0x210];
	v36 =	vmul.f32 $3.125000000e-02, v27;
	[tilespmem:$0x1A0] =	vst v32  }
0x32: {  	v39 =	vld [tilespmem:$0x220];
	v38 =	vmul.f32 $3.125000000e-02, v29;
	[tilespmem:$0x1B0] =	vst v34  }
0x33: {  	v41 =	vld [tilespmem:$0x230];
	v40 =	vmul.f32 $3.125000000e-02, v31;
	[tilespmem:$0x1C0] =	vst v36  }
0x34: {  	v43 =	vld [tilespmem:$0x240];
	v42 =	vmul.f32 $3.125000000e-02, v33;
	[tilespmem:$0x1D0] =	vst v38  }
0x35: {  	v45 =	vld [tilespmem:$0x250];
	v44 =	vmul.f32 $3.125000000e-02, v35;
	[tilespmem:$0x1E0] =	vst v40  }
0x36: {  	v47 =	vld [tilespmem:$0x260];
	v46 =	vmul.f32 $3.125000000e-02, v37;
	[tilespmem:$0x1F0] =	vst v42  }
0x37: {  	v49 =	vld [tilespmem:$0x270];
	v48 =	vmul.f32 $3.125000000e-02, v39;
	[tilespmem:$0x200] =	vst v44  }
0x38: {  	v51 =	vld [tilespmem:$0x280];
	v50 =	vmul.f32 $3.125000000e-02, v41;
	[tilespmem:$0x210] =	vst v46  }
0x39: {  	v52 =	vmul.f32 $3.125000000e-02, v43;
	v53 =	vld [tilespmem:$0x290];
	[tilespmem:$0x220] =	vst v48  }
0x3a: {  	v54 =	vmul.f32 $3.125000000e-02, v45;
	[tilespmem:$0x230] =	vst v50;
	v55 =	vld [tilespmem:$0x2A0]  }
0x3b: {  	v56 =	vmul.f32 $3.125000000e-02, v47;
	[tilespmem:$0x240] =	vst v52;
	v57 =	vld [tilespmem:$0x2B0]  }
0x3c: {  	v58 =	vmul.f32 $3.125000000e-02, v49;
	[tilespmem:$0x250] =	vst v54;
	v59 =	vld [tilespmem:$0x2C0]  }
0x3d: {  	v60 =	vmul.f32 $3.125000000e-02, v51;
	[tilespmem:$0x260] =	vst v56;
	v61 =	vld [tilespmem:$0x2D0]  }
0x3e: {  	[tilespmem:$0x270] =	vst v58;
	v63 =	vld [tilespmem:$0x2E0];
	v62 =	vmul.f32 $3.125000000e-02, v53  }
0x3f: {  	[tilespmem:$0x280] =	vst v60;
	v10 =	vld [tilespmem:$0x2F0];
	v9 =	vmul.f32 $3.125000000e-02, v55  }
0x40: {  	v12 =	vld [tilespmem:$0x300];
	[tilespmem:$0x290] =	vst v62;
	v11 =	vmul.f32 $3.125000000e-02, v57  }
0x41: {  	v14 =	vld [tilespmem:$0x310];
	v13 =	vmul.f32 $3.125000000e-02, v59;
	[tilespmem:$0x2A0] =	vst v9  }
0x42: {  	v16 =	vld [tilespmem:$0x320];
	v15 =	vmul.f32 $3.125000000e-02, v61;
	[tilespmem:$0x2B0] =	vst v11  }
0x43: {  	v18 =	vld [tilespmem:$0x330];
	v17 =	vmul.f32 $3.125000000e-02, v63;
	[tilespmem:$0x2C0] =	vst v13  }
0x44: {  	v20 =	vld [tilespmem:$0x340];
	v19 =	vmul.f32 $3.125000000e-02, v10;
	[tilespmem:$0x2D0] =	vst v15  }
0x45: {  	v22 =	vld [tilespmem:$0x350];
	v21 =	vmul.f32 $3.125000000e-02, v12;
	[tilespmem:$0x2E0] =	vst v17  }
0x46: {  	v24 =	vld [tilespmem:$0x360];
	v23 =	vmul.f32 $3.125000000e-02, v14;
	[tilespmem:$0x2F0] =	vst v19  }
0x47: {  	v26 =	vld [tilespmem:$0x370];
	v25 =	vmul.f32 $3.125000000e-02, v16;
	[tilespmem:$0x300] =	vst v21  }
0x48: {  	v28 =	vld [tilespmem:$0x380];
	v27 =	vmul.f32 $3.125000000e-02, v18;
	[tilespmem:$0x310] =	vst v23  }
0x49: {  	v30 =	vld [tilespmem:$0x390];
	v29 =	vmul.f32 $3.125000000e-02, v20;
	[tilespmem:$0x320] =	vst v25  }
0x4a: {  	v32 =	vld [tilespmem:$0x3A0];
	v31 =	vmul.f32 $3.125000000e-02, v22;
	[tilespmem:$0x330] =	vst v27  }
0x4b: {  	v34 =	vld [tilespmem:$0x3B0];
	v33 =	vmul.f32 $3.125000000e-02, v24;
	[tilespmem:$0x340] =	vst v29  }
0x4c: {  	v36 =	vld [tilespmem:$0x3C0];
	v35 =	vmul.f32 $3.125000000e-02, v26;
	[tilespmem:$0x350] =	vst v31  }
0x4d: {  	v38 =	vld [tilespmem:$0x3D0];
	v37 =	vmul.f32 $3.125000000e-02, v28;
	[tilespmem:$0x360] =	vst v33  }
0x4e: {  	v40 =	vld [tilespmem:$0x3E0];
	v39 =	vmul.f32 $3.125000000e-02, v30;
	[tilespmem:$0x370] =	vst v35  }
0x4f: {  	v42 =	vld [tilespmem:$0x3F0];
	v41 =	vmul.f32 $3.125000000e-02, v32;
	[tilespmem:$0x380] =	vst v37  }
0x50: {  	v44 =	vld [tilespmem:$0x400];
	v43 =	vmul.f32 $3.125000000e-02, v34;
	[tilespmem:$0x390] =	vst v39  }
0x51: {  	v46 =	vld [tilespmem:$0x410];
	v45 =	vmul.f32 $3.125000000e-02, v36;
	[tilespmem:$0x3A0] =	vst v41  }
0x52: {  	v48 =	vld [tilespmem:$0x420];
	v47 =	vmul.f32 $3.125000000e-02, v38;
	[tilespmem:$0x3B0] =	vst v43  }
0x53: {  	v50 =	vld [tilespmem:$0x430];
	v49 =	vmul.f32 $3.125000000e-02, v40;
	[tilespmem:$0x3C0] =	vst v45  }
0x54: {  	v52 =	vld [tilespmem:$0x440];
	v51 =	vmul.f32 $3.125000000e-02, v42;
	[tilespmem:$0x3D0] =	vst v47  }
0x55: {  	v54 =	vld [tilespmem:$0x450];
	v53 =	vmul.f32 $3.125000000e-02, v44;
	[tilespmem:$0x3E0] =	vst v49  }
0x56: {  	v56 =	vld [tilespmem:$0x460];
	v55 =	vmul.f32 $3.125000000e-02, v46;
	[tilespmem:$0x3F0] =	vst v51  }
0x57: {  	v58 =	vld [tilespmem:$0x470];
	v57 =	vmul.f32 $3.125000000e-02, v48;
	[tilespmem:$0x400] =	vst v53  }
0x58: {  	v59 =	vmul.f32 $3.125000000e-02, v50;
	[tilespmem:$0x410] =	vst v55  }
0x59: {  	v60 =	vmul.f32 $3.125000000e-02, v52;
	[tilespmem:$0x420] =	vst v57  }
0x5a: {  	v61 =	vmul.f32 $3.125000000e-02, v54;
	[tilespmem:$0x430] =	vst v59  }
0x5b: {  	v62 =	vmul.f32 $3.125000000e-02, v56;
	[tilespmem:$0x440] =	vst v60  }
0x5c: {  	v63 =	vmul.f32 $3.125000000e-02, v58;
	[tilespmem:$0x450] =	vst v61  }
0x5d: {  	[tilespmem:$0x460] =	vst v62  }
0x5e: {  	[tilespmem:$0x470] =	vst v63  }
0x5f: {  	[hbm4b:s1+s3] =	stream.linear.scatter [tilespmem:s4], [sflag:$0x2], $0x400, $0x38;
	[tilespmem:$0x480] =	vst v63  }
0x60: {  	_ =	swait.ge [sflag:s30], $0x400  }
0x61: {  	[sflag:s30] =	ssyncset.done $0x0  }
0x62: {  	[sflag:s30] =	ssyncadd.s32 $0xFFFFFC00  }
.LBB2_2:
0x63: {  	_ =	sfence.sel $0x180000  }
0x64: {  	[bflag:$0x0] =	sbarrier.arrive $0xFFFF  }
0x65: {  	_ =	strace $0x90000047  }
0x66: {  	s0 =	sadd.s32 @!p0 $0x100000, s0;
	[bflag:$0x2] =	sbarrier.arrive $0xFFFF  }
0x67: {  	[sflag:s0] =	ssyncadd.tile.s32 @!p0 $0x1;
	_ =	shalt  }
.Lfunc_end2:
_tile_overlayer_lowered:
.L_overlay_start_2:
0x68: {  	(tag) =	ssettag $0x2  }
0x69: {  	s0 =	rddreg [dreg:$0x0];
	s2 =	stileid.u32  }
0x6a: {  	s1 =	rddreg [dreg:$0x1];
	p0 =	sne.s32 s2, $0x0  }
0x6b: {  	s3 =	rddreg [dreg:$0x2];
	[bflag:$0x3] =	sbarrier.arrive $0xFFFF;
	s2 =	simm.s32 @!p0 $0x1C02  }
0x6c: {  	[timem:s3], [sflag:s2] =	dma.local @!p0 [hbm:s0], s1  }
0x6d: {  	s0 =	simm.s32 @!p0 $0x2  }
0x6e: {  	_ =	swait.ge @!p0 [sflag:s0], s1  }
0x6f: {  	s1 =	ssub.s32 @!p0 $0x0, s1;
	[sflag:s0] =	ssyncset.done @!p0 $0x0  }
0x70: {  	[sflag:s0] =	ssyncadd.s32 @!p0 s1  }
0x71: {  	[bflag:$0x3] =	sbarrier.arrive $0xFFFF  }
0x72: {  	_ =	shalt  }

</sc_bundles>
